<compile_context>
chip_gen: v7x
topology: tpu7x:2x2x1
jax: 0.10.2.dev20260603
libtpu: 0.0.44.dev20260713+nightly
codegen_flags: <defaults>
</compile_context>

<pallas_src>
import functools

import jax
import jax.numpy as jnp
from jax import lax
from jax.experimental import pallas as pl
from jax.experimental.pallas import tpu as pltpu
from jax.experimental.pallas import tpu_sc as plsc

_NC, _NS = 2, 16
_NW = _NC * _NS
_TCW = 16


@functools.lru_cache(maxsize=None)
def _make_sc_split(R, Rt, H, W):
    bpw = Rt // _NW
    tab_w = (bpw + 15) // 16 * 16
    assert Rt % _NW == 0 and bpw <= 32

    mesh = plsc.VectorSubcoreMesh(
        core_axis_name="c", subcore_axis_name="s",
        num_cores=_NC, num_subcores=_NS,
    )

    @functools.partial(
        pl.kernel,
        out_type=jax.ShapeDtypeStruct((Rt, H, W), jnp.float32),
        mesh=mesh,
        scratch_types=[
            pltpu.VMEM((tab_w,), jnp.int32),
            pltpu.VMEM((H, W), jnp.float32),
            pltpu.VMEM((H, W), jnp.float32),
            pltpu.SemaphoreType.DMA,
            pltpu.SemaphoreType.DMA,
            pltpu.SemaphoreType.DMA,
            pltpu.SemaphoreType.DMA,
        ],
    )
    def sc_kernel(img, tab, out, tab_v, buf0, buf1, sg0, sg1, ss0, ss1):
        w = lax.axis_index("s") * _NC + lax.axis_index("c")
        pltpu.sync_copy(tab.at[w], tab_v)
        svs = [tab_v[pl.ds(16 * i, 16)] for i in range(tab_w // 16)]
        bufs, gsems, ssems = (buf0, buf1), (sg0, sg1), (ss0, ss1)

        def gat(k):
            sv, lane = svs[k // 16], k % 16
            src = lax.squeeze(lax.slice(sv, (lane,), (lane + 1,)), (0,))
            return pltpu.make_async_copy(img.at[src], bufs[k % 2], gsems[k % 2])

        def sca(k):
            return pltpu.make_async_copy(
                bufs[k % 2], out.at[w * bpw + k], ssems[k % 2])

        gat(0).start()
        for k in range(bpw):
            if k + 1 < bpw:
                if k >= 1:
                    sca(k - 1).wait()
                gat(k + 1).start()
            gat(k).wait()
            sca(k).start()
        for j in range(max(0, bpw - 2), bpw):
            sca(j).wait()

    return sc_kernel


_TCK = 24
_TCL = 12


@functools.lru_cache(maxsize=None)
def _make_tc_split(R, Ni, C, H, W):
    def tc_kernel(idx_s, img, out, bufs, gsem, ssem):
        def gat(k):
            slot = lax.rem(k, _TCK)
            return pltpu.make_async_copy(
                img.at[idx_s[k]], bufs.at[slot], gsem.at[slot])

        def sca(k):
            slot = lax.rem(k, _TCK)
            return pltpu.make_async_copy(
                bufs.at[slot], out.at[k], ssem.at[slot])

        for k in range(_TCL):
            gat(k).start()

        def body(i, c):
            kk = i + _TCL

            @pl.when(kk < Ni)
            def _():
                @pl.when(kk >= _TCK)
                def _():
                    sca(kk - _TCK).wait()
                gat(kk).start()

            gat(i).wait()
            sca(i).start()
            return c

        lax.fori_loop(0, Ni, body, 0)

        def drain(j, c):
            sca(j).wait()
            return c

        lax.fori_loop(Ni - _TCK, Ni, drain, 0)

    return pl.pallas_call(
        tc_kernel,
        grid_spec=pltpu.PrefetchScalarGridSpec(
            num_scalar_prefetch=1,
            in_specs=[pl.BlockSpec(memory_space=pl.ANY)],
            out_specs=pl.BlockSpec(memory_space=pl.ANY),
            scratch_shapes=[
                pltpu.VMEM((_TCK, C, H, W), jnp.float32),
                pltpu.SemaphoreType.DMA((_TCK,)),
                pltpu.SemaphoreType.DMA((_TCK,)),
            ],
        ),
        out_shape=jax.ShapeDtypeStruct((Ni, C, H, W), jnp.float32),
    )


def kernel(image, context_indices, target_indices):
    B, V, C, H, W = image.shape
    ni = context_indices.shape[1]
    nt = target_indices.shape[1]
    Ri, Rt = B * ni * C, B * nt * C

    img3 = image.reshape(B * V * C, H, W)
    img4 = image.reshape(B * V, C, H, W)
    bi = jnp.arange(B, dtype=jnp.int32)[:, None]
    ch = jnp.arange(C, dtype=jnp.int32)[None, None, :]
    src_i = (bi * V + context_indices).reshape(-1)
    src_t = (((bi * V + target_indices) * C)[..., None] + ch).reshape(_NW, -1)
    bpw_t = Rt // _NW
    pad = (bpw_t + 15) // 16 * 16 - bpw_t
    tab_t = jnp.concatenate([src_t, jnp.zeros((_NW, pad), jnp.int32)], axis=1)

    out_t = _make_sc_split(B * V * C, Rt, H, W)(img3, tab_t)
    out_i = _make_tc_split(B * V, B * ni, C, H, W)(src_i, img4)
    return (out_i.reshape(B, ni, C, H, W),
            out_t.reshape(B, nt, C, H, W),
            context_indices, target_indices)

# --- scband reference (transcript-rebuilt; emitter-appended) ---
"""Pipeline reference for scband-split-data-2439541424586 (READ-ONLY COPY).

The authoritative reference and input builder live on the scoring server;
editing this copy changes nothing except your own understanding.
"""

import jax, jax.numpy as jnp
import numpy as np


def setup_inputs(seed: int = 0) -> dict:
    key = jax.random.key(seed)
    k1, k2 = jax.random.split(key, 2)
    B, V, C, H, W = 8, 24, 3, 224, 224
    num_input_views, num_target_views = 16, 8
    image = jax.random.normal(k1, (B, V, C, H, W), dtype=jnp.float32)
    # Build disjoint, sorted context/target index sets per batch element,
    # mirroring the module's get_random_index / provided-indices semantics.
    base = jnp.tile(jnp.arange(V, dtype=jnp.int32)[None, :], (B, 1))
    perms = jax.random.permutation(k2, base, axis=1, independent=True)
    context_indices = jnp.sort(perms[:, :num_input_views], axis=1)
    target_indices = jnp.sort(perms[:, num_input_views:num_input_views + num_target_views], axis=1)
    return {"image": image, "context_indices": context_indices, "target_indices": target_indices}


def reference(image, context_indices, target_indices):
    # Faithful translation of SplitData.forward when 'context_indices' and
    # 'target_indices' are present in data_batch: a batched gather along the
    # view dimension using advanced indexing with a batch index column.
    B = image.shape[0]
    batch_idx = jnp.arange(B)[:, None]
    input_image = image[batch_idx, context_indices]   # [B, num_input_views, C, H, W]
    target_image = image[batch_idx, target_indices]   # [B, num_target_views, C, H, W]
    return (input_image, target_image, context_indices, target_indices)

if __name__ == "__main__":
    import jax
    _d = setup_inputs()
    print(jax.jit(kernel)(*tuple(_d.values())))

</pallas_src>

<mosaic_0001>
#map = affine_map<(d0, d1) -> (0, 0, 0)>
#map1 = affine_map<(d0, d1) -> (0, 0)>
module attributes {stable_mosaic.version = 14 : i64} {
  func.func @sc_kernel(%arg0: i32, %arg1: i32, %arg2: memref<576x224x224xf32, #tpu.memory_space<hbm>>, %arg3: memref<32x16xi32, #tpu.memory_space<hbm>>, %arg4: memref<192x224x224xf32, #tpu.memory_space<hbm>>, %arg5: memref<16xi32, #tpu.memory_space<vmem>>, %arg6: memref<224x224xf32, #tpu.memory_space<vmem>>, %arg7: memref<224x224xf32, #tpu.memory_space<vmem>>, %arg8: memref<!tpu.dma_semaphore, #tpu.memory_space<semaphore_mem>>, %arg9: memref<!tpu.dma_semaphore, #tpu.memory_space<semaphore_mem>>, %arg10: memref<!tpu.dma_semaphore, #tpu.memory_space<semaphore_mem>>, %arg11: memref<!tpu.dma_semaphore, #tpu.memory_space<semaphore_mem>>) attributes {dimension_semantics = [#tpu.dimension_semantics<core_parallel>, #tpu.dimension_semantics<subcore_parallel>], iteration_bounds = array<i64: 2, 16>, scalar_prefetch = 0 : i64, scratch_operands = 7 : i64, tpu.core_type = #tpu.core_type<sc_vector_subcore>, window_params = [{transform_indices = #map}, {transform_indices = #map1}, {transform_indices = #map}]} {
    %mul3A = arith.constant 2 : i32
    %mul3A_0 = arith.muli %arg1, %mul3A : i32
    %add3A = arith.addi %mul3A_0, %arg0 : i32
    "tpu.region"() ({
      %run_scoped3A = tpu.sem_alloc : memref<!tpu.dma_semaphore, #tpu.memory_space<semaphore_mem>>
      %dma_start3A_263 = arith.constant 0 : i32
      %dma_start3A_264 = tpu.memref_slice %arg3[%add3A, %dma_start3A_263] : memref<32x16xi32, #tpu.memory_space<hbm>> -> memref<1x16xi32, #tpu.memory_space<hbm>>
      %dma_start3A_265 = tpu.memref_squeeze %dma_start3A_264 : memref<1x16xi32, #tpu.memory_space<hbm>> -> memref<16xi32, #tpu.memory_space<hbm>>
      %dma_start3A_266 = arith.constant 0 : i32
      %dma_start3A_267 = tpu.memref_slice %arg3[%add3A, %dma_start3A_266] : memref<32x16xi32, #tpu.memory_space<hbm>> -> memref<1x16xi32, #tpu.memory_space<hbm>>
      %dma_start3A_268 = tpu.memref_squeeze %dma_start3A_267 : memref<1x16xi32, #tpu.memory_space<hbm>> -> memref<16xi32, #tpu.memory_space<hbm>>
      tpu.enqueue_dma source(%dma_start3A_268 : memref<16xi32, #tpu.memory_space<hbm>>) target(%arg5 : memref<16xi32, #tpu.memory_space<vmem>>) target_semaphore(%run_scoped3A : memref<!tpu.dma_semaphore, #tpu.memory_space<semaphore_mem>>)
      %dma_wait3A_269 = arith.constant 0 : i32
      %dma_wait3A_270 = tpu.memref_slice %arg3[%add3A, %dma_wait3A_269] : memref<32x16xi32, #tpu.memory_space<hbm>> -> memref<1x16xi32, #tpu.memory_space<hbm>>
      %dma_wait3A_271 = tpu.memref_squeeze %dma_wait3A_270 : memref<1x16xi32, #tpu.memory_space<hbm>> -> memref<16xi32, #tpu.memory_space<hbm>>
      %dma_wait3A_272 = arith.constant 0 : i32
      %dma_wait3A_273 = tpu.memref_slice %arg3[%add3A, %dma_wait3A_272] : memref<32x16xi32, #tpu.memory_space<hbm>> -> memref<1x16xi32, #tpu.memory_space<hbm>>
      %dma_wait3A_274 = tpu.memref_squeeze %dma_wait3A_273 : memref<1x16xi32, #tpu.memory_space<hbm>> -> memref<16xi32, #tpu.memory_space<hbm>>
      tpu.wait_dma2 semaphore(%run_scoped3A : memref<!tpu.dma_semaphore, #tpu.memory_space<semaphore_mem>>) src(%dma_wait3A_274 : memref<16xi32, #tpu.memory_space<hbm>>) dst(%arg5 : memref<16xi32, #tpu.memory_space<vmem>>)
      tpu.yield
    }) : () -> ()
    %get3A = arith.constant 0 : index
    %get3A_1 = tpu.vector_load %arg5[%get3A] {strides = array<i32>} : memref<16xi32, #tpu.memory_space<vmem>>, vector<16xi32>,
    %get3A_2 = vector.shape_cast %get3A_1 : vector<16xi32> to vector<16xi32>
    %slice3A = vector.extract_strided_slice %get3A_2 {offsets = [0], sizes = [1], strides = [1]} : vector<16xi32> to vector<1xi32>
    %squeeze3A = vector.extract %slice3A[0] : i32 from vector<1xi32>
    %dma_start3A = arith.constant 0 : i32
    %dma_start3A_3 = arith.constant 0 : i32
    %dma_start3A_4 = tpu.memref_slice %arg2[%squeeze3A, %dma_start3A, %dma_start3A_3] : memref<576x224x224xf32, #tpu.memory_space<hbm>> -> memref<1x224x224xf32, #tpu.memory_space<hbm>>
    %dma_start3A_5 = tpu.memref_squeeze %dma_start3A_4 : memref<1x224x224xf32, #tpu.memory_space<hbm>> -> memref<224x224xf32, #tpu.memory_space<hbm>>
    %dma_start3A_6 = arith.constant 0 : i32
    %dma_start3A_7 = arith.constant 0 : i32
    %dma_start3A_8 = tpu.memref_slice %arg2[%squeeze3A, %dma_start3A_6, %dma_start3A_7] : memref<576x224x224xf32, #tpu.memory_space<hbm>> -> memref<1x224x224xf32, #tpu.memory_space<hbm>>
    %dma_start3A_9 = tpu.memref_squeeze %dma_start3A_8 : memref<1x224x224xf32, #tpu.memory_space<hbm>> -> memref<224x224xf32, #tpu.memory_space<hbm>>
    tpu.enqueue_dma source(%dma_start3A_9 : memref<224x224xf32, #tpu.memory_space<hbm>>) target(%arg6 : memref<224x224xf32, #tpu.memory_space<vmem>>) target_semaphore(%arg8 : memref<!tpu.dma_semaphore, #tpu.memory_space<semaphore_mem>>)
    %slice3A_10 = vector.extract_strided_slice %get3A_2 {offsets = [1], sizes = [1], strides = [1]} : vector<16xi32> to vector<1xi32>
    %squeeze3A_11 = vector.extract %slice3A_10[0] : i32 from vector<1xi32>
    %dma_start3A_12 = arith.constant 0 : i32
    %dma_start3A_13 = arith.constant 0 : i32
    %dma_start3A_14 = tpu.memref_slice %arg2[%squeeze3A_11, %dma_start3A_12, %dma_start3A_13] : memref<576x224x224xf32, #tpu.memory_space<hbm>> -> memref<1x224x224xf32, #tpu.memory_space<hbm>>
    %dma_start3A_15 = tpu.memref_squeeze %dma_start3A_14 : memref<1x224x224xf32, #tpu.memory_space<hbm>> -> memref<224x224xf32, #tpu.memory_space<hbm>>
    %dma_start3A_16 = arith.constant 0 : i32
    %dma_start3A_17 = arith.constant 0 : i32
    %dma_start3A_18 = tpu.memref_slice %arg2[%squeeze3A_11, %dma_start3A_16, %dma_start3A_17] : memref<576x224x224xf32, #tpu.memory_space<hbm>> -> memref<1x224x224xf32, #tpu.memory_space<hbm>>
    %dma_start3A_19 = tpu.memref_squeeze %dma_start3A_18 : memref<1x224x224xf32, #tpu.memory_space<hbm>> -> memref<224x224xf32, #tpu.memory_space<hbm>>
    tpu.enqueue_dma source(%dma_start3A_19 : memref<224x224xf32, #tpu.memory_space<hbm>>) target(%arg7 : memref<224x224xf32, #tpu.memory_space<vmem>>) target_semaphore(%arg9 : memref<!tpu.dma_semaphore, #tpu.memory_space<semaphore_mem>>)
    %slice3A_20 = vector.extract_strided_slice %get3A_2 {offsets = [0], sizes = [1], strides = [1]} : vector<16xi32> to vector<1xi32>
    %squeeze3A_21 = vector.extract %slice3A_20[0] : i32 from vector<1xi32>
    %dma_wait3A = arith.constant 0 : i32
    %dma_wait3A_22 = arith.constant 0 : i32
    %dma_wait3A_23 = tpu.memref_slice %arg2[%squeeze3A_21, %dma_wait3A, %dma_wait3A_22] : memref<576x224x224xf32, #tpu.memory_space<hbm>> -> memref<1x224x224xf32, #tpu.memory_space<hbm>>
    %dma_wait3A_24 = tpu.memref_squeeze %dma_wait3A_23 : memref<1x224x224xf32, #tpu.memory_space<hbm>> -> memref<224x224xf32, #tpu.memory_space<hbm>>
    %dma_wait3A_25 = arith.constant 0 : i32
    %dma_wait3A_26 = arith.constant 0 : i32
    %dma_wait3A_27 = tpu.memref_slice %arg2[%squeeze3A_21, %dma_wait3A_25, %dma_wait3A_26] : memref<576x224x224xf32, #tpu.memory_space<hbm>> -> memref<1x224x224xf32, #tpu.memory_space<hbm>>
    %dma_wait3A_28 = tpu.memref_squeeze %dma_wait3A_27 : memref<1x224x224xf32, #tpu.memory_space<hbm>> -> memref<224x224xf32, #tpu.memory_space<hbm>>
    tpu.wait_dma2 semaphore(%arg8 : memref<!tpu.dma_semaphore, #tpu.memory_space<semaphore_mem>>) src(%dma_wait3A_28 : memref<224x224xf32, #tpu.memory_space<hbm>>) dst(%arg6 : memref<224x224xf32, #tpu.memory_space<vmem>>)
    %mul3A_29 = arith.constant 6 : i32
    %mul3A_30 = arith.muli %add3A, %mul3A_29 : i32
    %add3A_31 = arith.constant 0 : i32
    %add3A_32 = arith.addi %mul3A_30, %add3A_31 : i32
    %dma_start3A_33 = arith.constant 0 : i32
    %dma_start3A_34 = arith.constant 0 : i32
    %dma_start3A_35 = tpu.memref_slice %arg4[%add3A_32, %dma_start3A_33, %dma_start3A_34] : memref<192x224x224xf32, #tpu.memory_space<hbm>> -> memref<1x224x224xf32, #tpu.memory_space<hbm>>
    %dma_start3A_36 = tpu.memref_squeeze %dma_start3A_35 : memref<1x224x224xf32, #tpu.memory_space<hbm>> -> memref<224x224xf32, #tpu.memory_space<hbm>>
    %dma_start3A_37 = arith.constant 0 : i32
    %dma_start3A_38 = arith.constant 0 : i32
    %dma_start3A_39 = tpu.memref_slice %arg4[%add3A_32, %dma_start3A_37, %dma_start3A_38] : memref<192x224x224xf32, #tpu.memory_space<hbm>> -> memref<1x224x224xf32, #tpu.memory_space<hbm>>
    %dma_start3A_40 = tpu.memref_squeeze %dma_start3A_39 : memref<1x224x224xf32, #tpu.memory_space<hbm>> -> memref<224x224xf32, #tpu.memory_space<hbm>>
    tpu.enqueue_dma source(%arg6 : memref<224x224xf32, #tpu.memory_space<vmem>>) target(%dma_start3A_40 : memref<224x224xf32, #tpu.memory_space<hbm>>) target_semaphore(%arg10 : memref<!tpu.dma_semaphore, #tpu.memory_space<semaphore_mem>>)
    %mul3A_41 = arith.constant 6 : i32
    %mul3A_42 = arith.muli %add3A, %mul3A_41 : i32
    %add3A_43 = arith.constant 0 : i32
    %add3A_44 = arith.addi %mul3A_42, %add3A_43 : i32
    %dma_wait3A_45 = arith.constant 0 : i32
    %dma_wait3A_46 = arith.constant 0 : i32
    %dma_wait3A_47 = tpu.memref_slice %arg4[%add3A_44, %dma_wait3A_45, %dma_wait3A_46] : memref<192x224x224xf32, #tpu.memory_space<hbm>> -> memref<1x224x224xf32, #tpu.memory_space<hbm>>
    %dma_wait3A_48 = tpu.memref_squeeze %dma_wait3A_47 : memref<1x224x224xf32, #tpu.memory_space<hbm>> -> memref<224x224xf32, #tpu.memory_space<hbm>>
    %dma_wait3A_49 = arith.constant 0 : i32
    %dma_wait3A_50 = arith.constant 0 : i32
    %dma_wait3A_51 = tpu.memref_slice %arg4[%add3A_44, %dma_wait3A_49, %dma_wait3A_50] : memref<192x224x224xf32, #tpu.memory_space<hbm>> -> memref<1x224x224xf32, #tpu.memory_space<hbm>>
    %dma_wait3A_52 = tpu.memref_squeeze %dma_wait3A_51 : memref<1x224x224xf32, #tpu.memory_space<hbm>> -> memref<224x224xf32, #tpu.memory_space<hbm>>
    tpu.wait_dma2 semaphore(%arg10 : memref<!tpu.dma_semaphore, #tpu.memory_space<semaphore_mem>>) src(%arg6 : memref<224x224xf32, #tpu.memory_space<vmem>>) dst(%dma_wait3A_52 : memref<224x224xf32, #tpu.memory_space<hbm>>)
    %slice3A_53 = vector.extract_strided_slice %get3A_2 {offsets = [2], sizes = [1], strides = [1]} : vector<16xi32> to vector<1xi32>
    %squeeze3A_54 = vector.extract %slice3A_53[0] : i32 from vector<1xi32>
    %dma_start3A_55 = arith.constant 0 : i32
    %dma_start3A_56 = arith.constant 0 : i32
    %dma_start3A_57 = tpu.memref_slice %arg2[%squeeze3A_54, %dma_start3A_55, %dma_start3A_56] : memref<576x224x224xf32, #tpu.memory_space<hbm>> -> memref<1x224x224xf32, #tpu.memory_space<hbm>>
    %dma_start3A_58 = tpu.memref_squeeze %dma_start3A_57 : memref<1x224x224xf32, #tpu.memory_space<hbm>> -> memref<224x224xf32, #tpu.memory_space<hbm>>
    %dma_start3A_59 = arith.constant 0 : i32
    %dma_start3A_60 = arith.constant 0 : i32
    %dma_start3A_61 = tpu.memref_slice %arg2[%squeeze3A_54, %dma_start3A_59, %dma_start3A_60] : memref<576x224x224xf32, #tpu.memory_space<hbm>> -> memref<1x224x224xf32, #tpu.memory_space<hbm>>
    %dma_start3A_62 = tpu.memref_squeeze %dma_start3A_61 : memref<1x224x224xf32, #tpu.memory_space<hbm>> -> memref<224x224xf32, #tpu.memory_space<hbm>>
    tpu.enqueue_dma source(%dma_start3A_62 : memref<224x224xf32, #tpu.memory_space<hbm>>) target(%arg6 : memref<224x224xf32, #tpu.memory_space<vmem>>) target_semaphore(%arg8 : memref<!tpu.dma_semaphore, #tpu.memory_space<semaphore_mem>>)
    %slice3A_63 = vector.extract_strided_slice %get3A_2 {offsets = [1], sizes = [1], strides = [1]} : vector<16xi32> to vector<1xi32>
    %squeeze3A_64 = vector.extract %slice3A_63[0] : i32 from vector<1xi32>
    %dma_wait3A_65 = arith.constant 0 : i32
    %dma_wait3A_66 = arith.constant 0 : i32
    %dma_wait3A_67 = tpu.memref_slice %arg2[%squeeze3A_64, %dma_wait3A_65, %dma_wait3A_66] : memref<576x224x224xf32, #tpu.memory_space<hbm>> -> memref<1x224x224xf32, #tpu.memory_space<hbm>>
    %dma_wait3A_68 = tpu.memref_squeeze %dma_wait3A_67 : memref<1x224x224xf32, #tpu.memory_space<hbm>> -> memref<224x224xf32, #tpu.memory_space<hbm>>
    %dma_wait3A_69 = arith.constant 0 : i32
    %dma_wait3A_70 = arith.constant 0 : i32
    %dma_wait3A_71 = tpu.memref_slice %arg2[%squeeze3A_64, %dma_wait3A_69, %dma_wait3A_70] : memref<576x224x224xf32, #tpu.memory_space<hbm>> -> memref<1x224x224xf32, #tpu.memory_space<hbm>>
    %dma_wait3A_72 = tpu.memref_squeeze %dma_wait3A_71 : memref<1x224x224xf32, #tpu.memory_space<hbm>> -> memref<224x224xf32, #tpu.memory_space<hbm>>
    tpu.wait_dma2 semaphore(%arg9 : memref<!tpu.dma_semaphore, #tpu.memory_space<semaphore_mem>>) src(%dma_wait3A_72 : memref<224x224xf32, #tpu.memory_space<hbm>>) dst(%arg7 : memref<224x224xf32, #tpu.memory_space<vmem>>)
    %mul3A_73 = arith.constant 6 : i32
    %mul3A_74 = arith.muli %add3A, %mul3A_73 : i32
    %add3A_75 = arith.constant 1 : i32
    %add3A_76 = arith.addi %mul3A_74, %add3A_75 : i32
    %dma_start3A_77 = arith.constant 0 : i32
    %dma_start3A_78 = arith.constant 0 : i32
    %dma_start3A_79 = tpu.memref_slice %arg4[%add3A_76, %dma_start3A_77, %dma_start3A_78] : memref<192x224x224xf32, #tpu.memory_space<hbm>> -> memref<1x224x224xf32, #tpu.memory_space<hbm>>
    %dma_start3A_80 = tpu.memref_squeeze %dma_start3A_79 : memref<1x224x224xf32, #tpu.memory_space<hbm>> -> memref<224x224xf32, #tpu.memory_space<hbm>>
    %dma_start3A_81 = arith.constant 0 : i32
    %dma_start3A_82 = arith.constant 0 : i32
    %dma_start3A_83 = tpu.memref_slice %arg4[%add3A_76, %dma_start3A_81, %dma_start3A_82] : memref<192x224x224xf32, #tpu.memory_space<hbm>> -> memref<1x224x224xf32, #tpu.memory_space<hbm>>
    %dma_start3A_84 = tpu.memref_squeeze %dma_start3A_83 : memref<1x224x224xf32, #tpu.memory_space<hbm>> -> memref<224x224xf32, #tpu.memory_space<hbm>>
    tpu.enqueue_dma source(%arg7 : memref<224x224xf32, #tpu.memory_space<vmem>>) target(%dma_start3A_84 : memref<224x224xf32, #tpu.memory_space<hbm>>) target_semaphore(%arg11 : memref<!tpu.dma_semaphore, #tpu.memory_space<semaphore_mem>>)
    %mul3A_85 = arith.constant 6 : i32
    %mul3A_86 = arith.muli %add3A, %mul3A_85 : i32
    %add3A_87 = arith.constant 1 : i32
    %add3A_88 = arith.addi %mul3A_86, %add3A_87 : i32
    %dma_wait3A_89 = arith.constant 0 : i32
    %dma_wait3A_90 = arith.constant 0 : i32
    %dma_wait3A_91 = tpu.memref_slice %arg4[%add3A_88, %dma_wait3A_89, %dma_wait3A_90] : memref<192x224x224xf32, #tpu.memory_space<hbm>> -> memref<1x224x224xf32, #tpu.memory_space<hbm>>
    %dma_wait3A_92 = tpu.memref_squeeze %dma_wait3A_91 : memref<1x224x224xf32, #tpu.memory_space<hbm>> -> memref<224x224xf32, #tpu.memory_space<hbm>>
    %dma_wait3A_93 = arith.constant 0 : i32
    %dma_wait3A_94 = arith.constant 0 : i32
    %dma_wait3A_95 = tpu.memref_slice %arg4[%add3A_88, %dma_wait3A_93, %dma_wait3A_94] : memref<192x224x224xf32, #tpu.memory_space<hbm>> -> memref<1x224x224xf32, #tpu.memory_space<hbm>>
    %dma_wait3A_96 = tpu.memref_squeeze %dma_wait3A_95 : memref<1x224x224xf32, #tpu.memory_space<hbm>> -> memref<224x224xf32, #tpu.memory_space<hbm>>
    tpu.wait_dma2 semaphore(%arg11 : memref<!tpu.dma_semaphore, #tpu.memory_space<semaphore_mem>>) src(%arg7 : memref<224x224xf32, #tpu.memory_space<vmem>>) dst(%dma_wait3A_96 : memref<224x224xf32, #tpu.memory_space<hbm>>)
    %slice3A_97 = vector.extract_strided_slice %get3A_2 {offsets = [3], sizes = [1], strides = [1]} : vector<16xi32> to vector<1xi32>
    %squeeze3A_98 = vector.extract %slice3A_97[0] : i32 from vector<1xi32>
    %dma_start3A_99 = arith.constant 0 : i32
    %dma_start3A_100 = arith.constant 0 : i32
    %dma_start3A_101 = tpu.memref_slice %arg2[%squeeze3A_98, %dma_start3A_99, %dma_start3A_100] : memref<576x224x224xf32, #tpu.memory_space<hbm>> -> memref<1x224x224xf32, #tpu.memory_space<hbm>>
    %dma_start3A_102 = tpu.memref_squeeze %dma_start3A_101 : memref<1x224x224xf32, #tpu.memory_space<hbm>> -> memref<224x224xf32, #tpu.memory_space<hbm>>
    %dma_start3A_103 = arith.constant 0 : i32
    %dma_start3A_104 = arith.constant 0 : i32
    %dma_start3A_105 = tpu.memref_slice %arg2[%squeeze3A_98, %dma_start3A_103, %dma_start3A_104] : memref<576x224x224xf32, #tpu.memory_space<hbm>> -> memref<1x224x224xf32, #tpu.memory_space<hbm>>
    %dma_start3A_106 = tpu.memref_squeeze %dma_start3A_105 : memref<1x224x224xf32, #tpu.memory_space<hbm>> -> memref<224x224xf32, #tpu.memory_space<hbm>>
    tpu.enqueue_dma source(%dma_start3A_106 : memref<224x224xf32, #tpu.memory_space<hbm>>) target(%arg7 : memref<224x224xf32, #tpu.memory_space<vmem>>) target_semaphore(%arg9 : memref<!tpu.dma_semaphore, #tpu.memory_space<semaphore_mem>>)
    %slice3A_107 = vector.extract_strided_slice %get3A_2 {offsets = [2], sizes = [1], strides = [1]} : vector<16xi32> to vector<1xi32>
    %squeeze3A_108 = vector.extract %slice3A_107[0] : i32 from vector<1xi32>
    %dma_wait3A_109 = arith.constant 0 : i32
    %dma_wait3A_110 = arith.constant 0 : i32
    %dma_wait3A_111 = tpu.memref_slice %arg2[%squeeze3A_108, %dma_wait3A_109, %dma_wait3A_110] : memref<576x224x224xf32, #tpu.memory_space<hbm>> -> memref<1x224x224xf32, #tpu.memory_space<hbm>>
    %dma_wait3A_112 = tpu.memref_squeeze %dma_wait3A_111 : memref<1x224x224xf32, #tpu.memory_space<hbm>> -> memref<224x224xf32, #tpu.memory_space<hbm>>
    %dma_wait3A_113 = arith.constant 0 : i32
    %dma_wait3A_114 = arith.constant 0 : i32
    %dma_wait3A_115 = tpu.memref_slice %arg2[%squeeze3A_108, %dma_wait3A_113, %dma_wait3A_114] : memref<576x224x224xf32, #tpu.memory_space<hbm>> -> memref<1x224x224xf32, #tpu.memory_space<hbm>>
    %dma_wait3A_116 = tpu.memref_squeeze %dma_wait3A_115 : memref<1x224x224xf32, #tpu.memory_space<hbm>> -> memref<224x224xf32, #tpu.memory_space<hbm>>
    tpu.wait_dma2 semaphore(%arg8 : memref<!tpu.dma_semaphore, #tpu.memory_space<semaphore_mem>>) src(%dma_wait3A_116 : memref<224x224xf32, #tpu.memory_space<hbm>>) dst(%arg6 : memref<224x224xf32, #tpu.memory_space<vmem>>)
    %mul3A_117 = arith.constant 6 : i32
    %mul3A_118 = arith.muli %add3A, %mul3A_117 : i32
    %add3A_119 = arith.constant 2 : i32
    %add3A_120 = arith.addi %mul3A_118, %add3A_119 : i32
    %dma_start3A_121 = arith.constant 0 : i32
    %dma_start3A_122 = arith.constant 0 : i32
    %dma_start3A_123 = tpu.memref_slice %arg4[%add3A_120, %dma_start3A_121, %dma_start3A_122] : memref<192x224x224xf32, #tpu.memory_space<hbm>> -> memref<1x224x224xf32, #tpu.memory_space<hbm>>
    %dma_start3A_124 = tpu.memref_squeeze %dma_start3A_123 : memref<1x224x224xf32, #tpu.memory_space<hbm>> -> memref<224x224xf32, #tpu.memory_space<hbm>>
    %dma_start3A_125 = arith.constant 0 : i32
    %dma_start3A_126 = arith.constant 0 : i32
    %dma_start3A_127 = tpu.memref_slice %arg4[%add3A_120, %dma_start3A_125, %dma_start3A_126] : memref<192x224x224xf32, #tpu.memory_space<hbm>> -> memref<1x224x224xf32, #tpu.memory_space<hbm>>
    %dma_start3A_128 = tpu.memref_squeeze %dma_start3A_127 : memref<1x224x224xf32, #tpu.memory_space<hbm>> -> memref<224x224xf32, #tpu.memory_space<hbm>>
    tpu.enqueue_dma source(%arg6 : memref<224x224xf32, #tpu.memory_space<vmem>>) target(%dma_start3A_128 : memref<224x224xf32, #tpu.memory_space<hbm>>) target_semaphore(%arg10 : memref<!tpu.dma_semaphore, #tpu.memory_space<semaphore_mem>>)
    %mul3A_129 = arith.constant 6 : i32
    %mul3A_130 = arith.muli %add3A, %mul3A_129 : i32
    %add3A_131 = arith.constant 2 : i32
    %add3A_132 = arith.addi %mul3A_130, %add3A_131 : i32
    %dma_wait3A_133 = arith.constant 0 : i32
    %dma_wait3A_134 = arith.constant 0 : i32
    %dma_wait3A_135 = tpu.memref_slice %arg4[%add3A_132, %dma_wait3A_133, %dma_wait3A_134] : memref<192x224x224xf32, #tpu.memory_space<hbm>> -> memref<1x224x224xf32, #tpu.memory_space<hbm>>
    %dma_wait3A_136 = tpu.memref_squeeze %dma_wait3A_135 : memref<1x224x224xf32, #tpu.memory_space<hbm>> -> memref<224x224xf32, #tpu.memory_space<hbm>>
    %dma_wait3A_137 = arith.constant 0 : i32
    %dma_wait3A_138 = arith.constant 0 : i32
    %dma_wait3A_139 = tpu.memref_slice %arg4[%add3A_132, %dma_wait3A_137, %dma_wait3A_138] : memref<192x224x224xf32, #tpu.memory_space<hbm>> -> memref<1x224x224xf32, #tpu.memory_space<hbm>>
    %dma_wait3A_140 = tpu.memref_squeeze %dma_wait3A_139 : memref<1x224x224xf32, #tpu.memory_space<hbm>> -> memref<224x224xf32, #tpu.memory_space<hbm>>
    tpu.wait_dma2 semaphore(%arg10 : memref<!tpu.dma_semaphore, #tpu.memory_space<semaphore_mem>>) src(%arg6 : memref<224x224xf32, #tpu.memory_space<vmem>>) dst(%dma_wait3A_140 : memref<224x224xf32, #tpu.memory_space<hbm>>)
    %slice3A_141 = vector.extract_strided_slice %get3A_2 {offsets = [4], sizes = [1], strides = [1]} : vector<16xi32> to vector<1xi32>
    %squeeze3A_142 = vector.extract %slice3A_141[0] : i32 from vector<1xi32>
    %dma_start3A_143 = arith.constant 0 : i32
    %dma_start3A_144 = arith.constant 0 : i32
    %dma_start3A_145 = tpu.memref_slice %arg2[%squeeze3A_142, %dma_start3A_143, %dma_start3A_144] : memref<576x224x224xf32, #tpu.memory_space<hbm>> -> memref<1x224x224xf32, #tpu.memory_space<hbm>>
    %dma_start3A_146 = tpu.memref_squeeze %dma_start3A_145 : memref<1x224x224xf32, #tpu.memory_space<hbm>> -> memref<224x224xf32, #tpu.memory_space<hbm>>
    %dma_start3A_147 = arith.constant 0 : i32
    %dma_start3A_148 = arith.constant 0 : i32
    %dma_start3A_149 = tpu.memref_slice %arg2[%squeeze3A_142, %dma_start3A_147, %dma_start3A_148] : memref<576x224x224xf32, #tpu.memory_space<hbm>> -> memref<1x224x224xf32, #tpu.memory_space<hbm>>
    %dma_start3A_150 = tpu.memref_squeeze %dma_start3A_149 : memref<1x224x224xf32, #tpu.memory_space<hbm>> -> memref<224x224xf32, #tpu.memory_space<hbm>>
    tpu.enqueue_dma source(%dma_start3A_150 : memref<224x224xf32, #tpu.memory_space<hbm>>) target(%arg6 : memref<224x224xf32, #tpu.memory_space<vmem>>) target_semaphore(%arg8 : memref<!tpu.dma_semaphore, #tpu.memory_space<semaphore_mem>>)
    %slice3A_151 = vector.extract_strided_slice %get3A_2 {offsets = [3], sizes = [1], strides = [1]} : vector<16xi32> to vector<1xi32>
    %squeeze3A_152 = vector.extract %slice3A_151[0] : i32 from vector<1xi32>
    %dma_wait3A_153 = arith.constant 0 : i32
    %dma_wait3A_154 = arith.constant 0 : i32
    %dma_wait3A_155 = tpu.memref_slice %arg2[%squeeze3A_152, %dma_wait3A_153, %dma_wait3A_154] : memref<576x224x224xf32, #tpu.memory_space<hbm>> -> memref<1x224x224xf32, #tpu.memory_space<hbm>>
    %dma_wait3A_156 = tpu.memref_squeeze %dma_wait3A_155 : memref<1x224x224xf32, #tpu.memory_space<hbm>> -> memref<224x224xf32, #tpu.memory_space<hbm>>
    %dma_wait3A_157 = arith.constant 0 : i32
    %dma_wait3A_158 = arith.constant 0 : i32
    %dma_wait3A_159 = tpu.memref_slice %arg2[%squeeze3A_152, %dma_wait3A_157, %dma_wait3A_158] : memref<576x224x224xf32, #tpu.memory_space<hbm>> -> memref<1x224x224xf32, #tpu.memory_space<hbm>>
    %dma_wait3A_160 = tpu.memref_squeeze %dma_wait3A_159 : memref<1x224x224xf32, #tpu.memory_space<hbm>> -> memref<224x224xf32, #tpu.memory_space<hbm>>
    tpu.wait_dma2 semaphore(%arg9 : memref<!tpu.dma_semaphore, #tpu.memory_space<semaphore_mem>>) src(%dma_wait3A_160 : memref<224x224xf32, #tpu.memory_space<hbm>>) dst(%arg7 : memref<224x224xf32, #tpu.memory_space<vmem>>)
    %mul3A_161 = arith.constant 6 : i32
    %mul3A_162 = arith.muli %add3A, %mul3A_161 : i32
    %add3A_163 = arith.constant 3 : i32
    %add3A_164 = arith.addi %mul3A_162, %add3A_163 : i32
    %dma_start3A_165 = arith.constant 0 : i32
    %dma_start3A_166 = arith.constant 0 : i32
    %dma_start3A_167 = tpu.memref_slice %arg4[%add3A_164, %dma_start3A_165, %dma_start3A_166] : memref<192x224x224xf32, #tpu.memory_space<hbm>> -> memref<1x224x224xf32, #tpu.memory_space<hbm>>
    %dma_start3A_168 = tpu.memref_squeeze %dma_start3A_167 : memref<1x224x224xf32, #tpu.memory_space<hbm>> -> memref<224x224xf32, #tpu.memory_space<hbm>>
    %dma_start3A_169 = arith.constant 0 : i32
    %dma_start3A_170 = arith.constant 0 : i32
    %dma_start3A_171 = tpu.memref_slice %arg4[%add3A_164, %dma_start3A_169, %dma_start3A_170] : memref<192x224x224xf32, #tpu.memory_space<hbm>> -> memref<1x224x224xf32, #tpu.memory_space<hbm>>
    %dma_start3A_172 = tpu.memref_squeeze %dma_start3A_171 : memref<1x224x224xf32, #tpu.memory_space<hbm>> -> memref<224x224xf32, #tpu.memory_space<hbm>>
    tpu.enqueue_dma source(%arg7 : memref<224x224xf32, #tpu.memory_space<vmem>>) target(%dma_start3A_172 : memref<224x224xf32, #tpu.memory_space<hbm>>) target_semaphore(%arg11 : memref<!tpu.dma_semaphore, #tpu.memory_space<semaphore_mem>>)
    %mul3A_173 = arith.constant 6 : i32
    %mul3A_174 = arith.muli %add3A, %mul3A_173 : i32
    %add3A_175 = arith.constant 3 : i32
    %add3A_176 = arith.addi %mul3A_174, %add3A_175 : i32
    %dma_wait3A_177 = arith.constant 0 : i32
    %dma_wait3A_178 = arith.constant 0 : i32
    %dma_wait3A_179 = tpu.memref_slice %arg4[%add3A_176, %dma_wait3A_177, %dma_wait3A_178] : memref<192x224x224xf32, #tpu.memory_space<hbm>> -> memref<1x224x224xf32, #tpu.memory_space<hbm>>
    %dma_wait3A_180 = tpu.memref_squeeze %dma_wait3A_179 : memref<1x224x224xf32, #tpu.memory_space<hbm>> -> memref<224x224xf32, #tpu.memory_space<hbm>>
    %dma_wait3A_181 = arith.constant 0 : i32
    %dma_wait3A_182 = arith.constant 0 : i32
    %dma_wait3A_183 = tpu.memref_slice %arg4[%add3A_176, %dma_wait3A_181, %dma_wait3A_182] : memref<192x224x224xf32, #tpu.memory_space<hbm>> -> memref<1x224x224xf32, #tpu.memory_space<hbm>>
    %dma_wait3A_184 = tpu.memref_squeeze %dma_wait3A_183 : memref<1x224x224xf32, #tpu.memory_space<hbm>> -> memref<224x224xf32, #tpu.memory_space<hbm>>
    tpu.wait_dma2 semaphore(%arg11 : memref<!tpu.dma_semaphore, #tpu.memory_space<semaphore_mem>>) src(%arg7 : memref<224x224xf32, #tpu.memory_space<vmem>>) dst(%dma_wait3A_184 : memref<224x224xf32, #tpu.memory_space<hbm>>)
    %slice3A_185 = vector.extract_strided_slice %get3A_2 {offsets = [5], sizes = [1], strides = [1]} : vector<16xi32> to vector<1xi32>
    %squeeze3A_186 = vector.extract %slice3A_185[0] : i32 from vector<1xi32>
    %dma_start3A_187 = arith.constant 0 : i32
    %dma_start3A_188 = arith.constant 0 : i32
    %dma_start3A_189 = tpu.memref_slice %arg2[%squeeze3A_186, %dma_start3A_187, %dma_start3A_188] : memref<576x224x224xf32, #tpu.memory_space<hbm>> -> memref<1x224x224xf32, #tpu.memory_space<hbm>>
    %dma_start3A_190 = tpu.memref_squeeze %dma_start3A_189 : memref<1x224x224xf32, #tpu.memory_space<hbm>> -> memref<224x224xf32, #tpu.memory_space<hbm>>
    %dma_start3A_191 = arith.constant 0 : i32
    %dma_start3A_192 = arith.constant 0 : i32
    %dma_start3A_193 = tpu.memref_slice %arg2[%squeeze3A_186, %dma_start3A_191, %dma_start3A_192] : memref<576x224x224xf32, #tpu.memory_space<hbm>> -> memref<1x224x224xf32, #tpu.memory_space<hbm>>
    %dma_start3A_194 = tpu.memref_squeeze %dma_start3A_193 : memref<1x224x224xf32, #tpu.memory_space<hbm>> -> memref<224x224xf32, #tpu.memory_space<hbm>>
    tpu.enqueue_dma source(%dma_start3A_194 : memref<224x224xf32, #tpu.memory_space<hbm>>) target(%arg7 : memref<224x224xf32, #tpu.memory_space<vmem>>) target_semaphore(%arg9 : memref<!tpu.dma_semaphore, #tpu.memory_space<semaphore_mem>>)
    %slice3A_195 = vector.extract_strided_slice %get3A_2 {offsets = [4], sizes = [1], strides = [1]} : vector<16xi32> to vector<1xi32>
    %squeeze3A_196 = vector.extract %slice3A_195[0] : i32 from vector<1xi32>
    %dma_wait3A_197 = arith.constant 0 : i32
    %dma_wait3A_198 = arith.constant 0 : i32
    %dma_wait3A_199 = tpu.memref_slice %arg2[%squeeze3A_196, %dma_wait3A_197, %dma_wait3A_198] : memref<576x224x224xf32, #tpu.memory_space<hbm>> -> memref<1x224x224xf32, #tpu.memory_space<hbm>>
    %dma_wait3A_200 = tpu.memref_squeeze %dma_wait3A_199 : memref<1x224x224xf32, #tpu.memory_space<hbm>> -> memref<224x224xf32, #tpu.memory_space<hbm>>
    %dma_wait3A_201 = arith.constant 0 : i32
    %dma_wait3A_202 = arith.constant 0 : i32
    %dma_wait3A_203 = tpu.memref_slice %arg2[%squeeze3A_196, %dma_wait3A_201, %dma_wait3A_202] : memref<576x224x224xf32, #tpu.memory_space<hbm>> -> memref<1x224x224xf32, #tpu.memory_space<hbm>>
    %dma_wait3A_204 = tpu.memref_squeeze %dma_wait3A_203 : memref<1x224x224xf32, #tpu.memory_space<hbm>> -> memref<224x224xf32, #tpu.memory_space<hbm>>
    tpu.wait_dma2 semaphore(%arg8 : memref<!tpu.dma_semaphore, #tpu.memory_space<semaphore_mem>>) src(%dma_wait3A_204 : memref<224x224xf32, #tpu.memory_space<hbm>>) dst(%arg6 : memref<224x224xf32, #tpu.memory_space<vmem>>)
    %mul3A_205 = arith.constant 6 : i32
    %mul3A_206 = arith.muli %add3A, %mul3A_205 : i32
    %add3A_207 = arith.constant 4 : i32
    %add3A_208 = arith.addi %mul3A_206, %add3A_207 : i32
    %dma_start3A_209 = arith.constant 0 : i32
    %dma_start3A_210 = arith.constant 0 : i32
    %dma_start3A_211 = tpu.memref_slice %arg4[%add3A_208, %dma_start3A_209, %dma_start3A_210] : memref<192x224x224xf32, #tpu.memory_space<hbm>> -> memref<1x224x224xf32, #tpu.memory_space<hbm>>
    %dma_start3A_212 = tpu.memref_squeeze %dma_start3A_211 : memref<1x224x224xf32, #tpu.memory_space<hbm>> -> memref<224x224xf32, #tpu.memory_space<hbm>>
    %dma_start3A_213 = arith.constant 0 : i32
    %dma_start3A_214 = arith.constant 0 : i32
    %dma_start3A_215 = tpu.memref_slice %arg4[%add3A_208, %dma_start3A_213, %dma_start3A_214] : memref<192x224x224xf32, #tpu.memory_space<hbm>> -> memref<1x224x224xf32, #tpu.memory_space<hbm>>
    %dma_start3A_216 = tpu.memref_squeeze %dma_start3A_215 : memref<1x224x224xf32, #tpu.memory_space<hbm>> -> memref<224x224xf32, #tpu.memory_space<hbm>>
    tpu.enqueue_dma source(%arg6 : memref<224x224xf32, #tpu.memory_space<vmem>>) target(%dma_start3A_216 : memref<224x224xf32, #tpu.memory_space<hbm>>) target_semaphore(%arg10 : memref<!tpu.dma_semaphore, #tpu.memory_space<semaphore_mem>>)
    %slice3A_217 = vector.extract_strided_slice %get3A_2 {offsets = [5], sizes = [1], strides = [1]} : vector<16xi32> to vector<1xi32>
    %squeeze3A_218 = vector.extract %slice3A_217[0] : i32 from vector<1xi32>
    %dma_wait3A_219 = arith.constant 0 : i32
    %dma_wait3A_220 = arith.constant 0 : i32
    %dma_wait3A_221 = tpu.memref_slice %arg2[%squeeze3A_218, %dma_wait3A_219, %dma_wait3A_220] : memref<576x224x224xf32, #tpu.memory_space<hbm>> -> memref<1x224x224xf32, #tpu.memory_space<hbm>>
    %dma_wait3A_222 = tpu.memref_squeeze %dma_wait3A_221 : memref<1x224x224xf32, #tpu.memory_space<hbm>> -> memref<224x224xf32, #tpu.memory_space<hbm>>
    %dma_wait3A_223 = arith.constant 0 : i32
    %dma_wait3A_224 = arith.constant 0 : i32
    %dma_wait3A_225 = tpu.memref_slice %arg2[%squeeze3A_218, %dma_wait3A_223, %dma_wait3A_224] : memref<576x224x224xf32, #tpu.memory_space<hbm>> -> memref<1x224x224xf32, #tpu.memory_space<hbm>>
    %dma_wait3A_226 = tpu.memref_squeeze %dma_wait3A_225 : memref<1x224x224xf32, #tpu.memory_space<hbm>> -> memref<224x224xf32, #tpu.memory_space<hbm>>
    tpu.wait_dma2 semaphore(%arg9 : memref<!tpu.dma_semaphore, #tpu.memory_space<semaphore_mem>>) src(%dma_wait3A_226 : memref<224x224xf32, #tpu.memory_space<hbm>>) dst(%arg7 : memref<224x224xf32, #tpu.memory_space<vmem>>)
    %mul3A_227 = arith.constant 6 : i32
    %mul3A_228 = arith.muli %add3A, %mul3A_227 : i32
    %add3A_229 = arith.constant 5 : i32
    %add3A_230 = arith.addi %mul3A_228, %add3A_229 : i32
    %dma_start3A_231 = arith.constant 0 : i32
    %dma_start3A_232 = arith.constant 0 : i32
    %dma_start3A_233 = tpu.memref_slice %arg4[%add3A_230, %dma_start3A_231, %dma_start3A_232] : memref<192x224x224xf32, #tpu.memory_space<hbm>> -> memref<1x224x224xf32, #tpu.memory_space<hbm>>
    %dma_start3A_234 = tpu.memref_squeeze %dma_start3A_233 : memref<1x224x224xf32, #tpu.memory_space<hbm>> -> memref<224x224xf32, #tpu.memory_space<hbm>>
    %dma_start3A_235 = arith.constant 0 : i32
    %dma_start3A_236 = arith.constant 0 : i32
    %dma_start3A_237 = tpu.memref_slice %arg4[%add3A_230, %dma_start3A_235, %dma_start3A_236] : memref<192x224x224xf32, #tpu.memory_space<hbm>> -> memref<1x224x224xf32, #tpu.memory_space<hbm>>
    %dma_start3A_238 = tpu.memref_squeeze %dma_start3A_237 : memref<1x224x224xf32, #tpu.memory_space<hbm>> -> memref<224x224xf32, #tpu.memory_space<hbm>>
    tpu.enqueue_dma source(%arg7 : memref<224x224xf32, #tpu.memory_space<vmem>>) target(%dma_start3A_238 : memref<224x224xf32, #tpu.memory_space<hbm>>) target_semaphore(%arg11 : memref<!tpu.dma_semaphore, #tpu.memory_space<semaphore_mem>>)
    %mul3A_239 = arith.constant 6 : i32
    %mul3A_240 = arith.muli %add3A, %mul3A_239 : i32
    %add3A_241 = arith.constant 4 : i32
    %add3A_242 = arith.addi %mul3A_240, %add3A_241 : i32
    %dma_wait3A_243 = arith.constant 0 : i32
    %dma_wait3A_244 = arith.constant 0 : i32
    %dma_wait3A_245 = tpu.memref_slice %arg4[%add3A_242, %dma_wait3A_243, %dma_wait3A_244] : memref<192x224x224xf32, #tpu.memory_space<hbm>> -> memref<1x224x224xf32, #tpu.memory_space<hbm>>
    %dma_wait3A_246 = tpu.memref_squeeze %dma_wait3A_245 : memref<1x224x224xf32, #tpu.memory_space<hbm>> -> memref<224x224xf32, #tpu.memory_space<hbm>>
    %dma_wait3A_247 = arith.constant 0 : i32
    %dma_wait3A_248 = arith.constant 0 : i32
    %dma_wait3A_249 = tpu.memref_slice %arg4[%add3A_242, %dma_wait3A_247, %dma_wait3A_248] : memref<192x224x224xf32, #tpu.memory_space<hbm>> -> memref<1x224x224xf32, #tpu.memory_space<hbm>>
    %dma_wait3A_250 = tpu.memref_squeeze %dma_wait3A_249 : memref<1x224x224xf32, #tpu.memory_space<hbm>> -> memref<224x224xf32, #tpu.memory_space<hbm>>
    tpu.wait_dma2 semaphore(%arg10 : memref<!tpu.dma_semaphore, #tpu.memory_space<semaphore_mem>>) src(%arg6 : memref<224x224xf32, #tpu.memory_space<vmem>>) dst(%dma_wait3A_250 : memref<224x224xf32, #tpu.memory_space<hbm>>)
    %mul3A_251 = arith.constant 6 : i32
    %mul3A_252 = arith.muli %add3A, %mul3A_251 : i32
    %add3A_253 = arith.constant 5 : i32
    %add3A_254 = arith.addi %mul3A_252, %add3A_253 : i32
    %dma_wait3A_255 = arith.constant 0 : i32
    %dma_wait3A_256 = arith.constant 0 : i32
    %dma_wait3A_257 = tpu.memref_slice %arg4[%add3A_254, %dma_wait3A_255, %dma_wait3A_256] : memref<192x224x224xf32, #tpu.memory_space<hbm>> -> memref<1x224x224xf32, #tpu.memory_space<hbm>>
    %dma_wait3A_258 = tpu.memref_squeeze %dma_wait3A_257 : memref<1x224x224xf32, #tpu.memory_space<hbm>> -> memref<224x224xf32, #tpu.memory_space<hbm>>
    %dma_wait3A_259 = arith.constant 0 : i32
    %dma_wait3A_260 = arith.constant 0 : i32
    %dma_wait3A_261 = tpu.memref_slice %arg4[%add3A_254, %dma_wait3A_259, %dma_wait3A_260] : memref<192x224x224xf32, #tpu.memory_space<hbm>> -> memref<1x224x224xf32, #tpu.memory_space<hbm>>
    %dma_wait3A_262 = tpu.memref_squeeze %dma_wait3A_261 : memref<1x224x224xf32, #tpu.memory_space<hbm>> -> memref<224x224xf32, #tpu.memory_space<hbm>>
    tpu.wait_dma2 semaphore(%arg11 : memref<!tpu.dma_semaphore, #tpu.memory_space<semaphore_mem>>) src(%arg7 : memref<224x224xf32, #tpu.memory_space<vmem>>) dst(%dma_wait3A_262 : memref<224x224xf32, #tpu.memory_space<hbm>>)
    return
  }
}

module attributes {stable_mosaic.version = 14 : i64} {
  func.func @tc_kernel(%arg0: memref<128xi32, #tpu.memory_space<smem>>, %arg1: memref<192x3x224x224xf32, #tpu.memory_space<any>>, %arg2: memref<128x3x224x224xf32, #tpu.memory_space<any>>, %arg3: memref<24x3x224x224xf32, #tpu.memory_space<vmem>>, %arg4: memref<24x!tpu.dma_semaphore, #tpu.memory_space<semaphore_mem>>, %arg5: memref<24x!tpu.dma_semaphore, #tpu.memory_space<semaphore_mem>>) attributes {dimension_semantics = [], scalar_prefetch = 1 : i64, scratch_operands = 3 : i64, tpu.core_type = #tpu.core_type<tc>} {
    %rem3A = arith.constant 0 : i32
    %rem3A_0 = arith.constant 24 : i32
    %rem3A_1 = arith.remsi %rem3A, %rem3A_0 : i32
    %get3A = arith.constant 0 : index
    %get3A_2 = memref.load %arg0[%get3A] : memref<128xi32, #tpu.memory_space<smem>>
    %dma_start3A = tpu.memref_slice %arg4[%rem3A_1] : memref<24x!tpu.dma_semaphore, #tpu.memory_space<semaphore_mem>> -> memref<1x!tpu.dma_semaphore, #tpu.memory_space<semaphore_mem>>
    %dma_start3A_3 = tpu.memref_squeeze %dma_start3A : memref<1x!tpu.dma_semaphore, #tpu.memory_space<semaphore_mem>> -> memref<!tpu.dma_semaphore, #tpu.memory_space<semaphore_mem>>
    %dma_start3A_4 = arith.constant 0 : i32
    %dma_start3A_5 = arith.constant 0 : i32
    %dma_start3A_6 = arith.constant 0 : i32
    %dma_start3A_7 = tpu.memref_slice %arg3[%rem3A_1, %dma_start3A_4, %dma_start3A_5, %dma_start3A_6] : memref<24x3x224x224xf32, #tpu.memory_space<vmem>> -> memref<1x3x224x224xf32, #tpu.memory_space<vmem>>
    %dma_start3A_8 = tpu.memref_squeeze %dma_start3A_7 : memref<1x3x224x224xf32, #tpu.memory_space<vmem>> -> memref<3x224x224xf32, #tpu.memory_space<vmem>>
    %dma_start3A_9 = arith.constant 0 : i32
    %dma_start3A_10 = arith.constant 0 : i32
    %dma_start3A_11 = arith.constant 0 : i32
    %dma_start3A_12 = tpu.memref_slice %arg1[%get3A_2, %dma_start3A_9, %dma_start3A_10, %dma_start3A_11] : memref<192x3x224x224xf32, #tpu.memory_space<any>> -> memref<1x3x224x224xf32, #tpu.memory_space<any>>
    %dma_start3A_13 = tpu.memref_squeeze %dma_start3A_12 : memref<1x3x224x224xf32, #tpu.memory_space<any>> -> memref<3x224x224xf32, #tpu.memory_space<any>>
    tpu.enqueue_dma source(%dma_start3A_13 : memref<3x224x224xf32, #tpu.memory_space<any>>) target(%dma_start3A_8 : memref<3x224x224xf32, #tpu.memory_space<vmem>>) target_semaphore(%dma_start3A_3 : memref<!tpu.dma_semaphore, #tpu.memory_space<semaphore_mem>>)
    %rem3A_14 = arith.constant 1 : i32
    %rem3A_15 = arith.constant 24 : i32
    %rem3A_16 = arith.remsi %rem3A_14, %rem3A_15 : i32
    %get3A_17 = arith.constant 1 : index
    %get3A_18 = memref.load %arg0[%get3A_17] : memref<128xi32, #tpu.memory_space<smem>>
    %dma_start3A_19 = tpu.memref_slice %arg4[%rem3A_16] : memref<24x!tpu.dma_semaphore, #tpu.memory_space<semaphore_mem>> -> memref<1x!tpu.dma_semaphore, #tpu.memory_space<semaphore_mem>>
    %dma_start3A_20 = tpu.memref_squeeze %dma_start3A_19 : memref<1x!tpu.dma_semaphore, #tpu.memory_space<semaphore_mem>> -> memref<!tpu.dma_semaphore, #tpu.memory_space<semaphore_mem>>
    %dma_start3A_21 = arith.constant 0 : i32
    %dma_start3A_22 = arith.constant 0 : i32
    %dma_start3A_23 = arith.constant 0 : i32
    %dma_start3A_24 = tpu.memref_slice %arg3[%rem3A_16, %dma_start3A_21, %dma_start3A_22, %dma_start3A_23] : memref<24x3x224x224xf32, #tpu.memory_space<vmem>> -> memref<1x3x224x224xf32, #tpu.memory_space<vmem>>
    %dma_start3A_25 = tpu.memref_squeeze %dma_start3A_24 : memref<1x3x224x224xf32, #tpu.memory_space<vmem>> -> memref<3x224x224xf32, #tpu.memory_space<vmem>>
    %dma_start3A_26 = arith.constant 0 : i32
    %dma_start3A_27 = arith.constant 0 : i32
    %dma_start3A_28 = arith.constant 0 : i32
    %dma_start3A_29 = tpu.memref_slice %arg1[%get3A_18, %dma_start3A_26, %dma_start3A_27, %dma_start3A_28] : memref<192x3x224x224xf32, #tpu.memory_space<any>> -> memref<1x3x224x224xf32, #tpu.memory_space<any>>
    %dma_start3A_30 = tpu.memref_squeeze %dma_start3A_29 : memref<1x3x224x224xf32, #tpu.memory_space<any>> -> memref<3x224x224xf32, #tpu.memory_space<any>>
    tpu.enqueue_dma source(%dma_start3A_30 : memref<3x224x224xf32, #tpu.memory_space<any>>) target(%dma_start3A_25 : memref<3x224x224xf32, #tpu.memory_space<vmem>>) target_semaphore(%dma_start3A_20 : memref<!tpu.dma_semaphore, #tpu.memory_space<semaphore_mem>>)
    %rem3A_31 = arith.constant 2 : i32
    %rem3A_32 = arith.constant 24 : i32
    %rem3A_33 = arith.remsi %rem3A_31, %rem3A_32 : i32
    %get3A_34 = arith.constant 2 : index
    %get3A_35 = memref.load %arg0[%get3A_34] : memref<128xi32, #tpu.memory_space<smem>>
    %dma_start3A_36 = tpu.memref_slice %arg4[%rem3A_33] : memref<24x!tpu.dma_semaphore, #tpu.memory_space<semaphore_mem>> -> memref<1x!tpu.dma_semaphore, #tpu.memory_space<semaphore_mem>>
    %dma_start3A_37 = tpu.memref_squeeze %dma_start3A_36 : memref<1x!tpu.dma_semaphore, #tpu.memory_space<semaphore_mem>> -> memref<!tpu.dma_semaphore, #tpu.memory_space<semaphore_mem>>
    %dma_start3A_38 = arith.constant 0 : i32
    %dma_start3A_39 = arith.constant 0 : i32
    %dma_start3A_40 = arith.constant 0 : i32
    %dma_start3A_41 = tpu.memref_slice %arg3[%rem3A_33, %dma_start3A_38, %dma_start3A_39, %dma_start3A_40] : memref<24x3x224x224xf32, #tpu.memory_space<vmem>> -> memref<1x3x224x224xf32, #tpu.memory_space<vmem>>
    %dma_start3A_42 = tpu.memref_squeeze %dma_start3A_41 : memref<1x3x224x224xf32, #tpu.memory_space<vmem>> -> memref<3x224x224xf32, #tpu.memory_space<vmem>>
    %dma_start3A_43 = arith.constant 0 : i32
    %dma_start3A_44 = arith.constant 0 : i32
    %dma_start3A_45 = arith.constant 0 : i32
    %dma_start3A_46 = tpu.memref_slice %arg1[%get3A_35, %dma_start3A_43, %dma_start3A_44, %dma_start3A_45] : memref<192x3x224x224xf32, #tpu.memory_space<any>> -> memref<1x3x224x224xf32, #tpu.memory_space<any>>
    %dma_start3A_47 = tpu.memref_squeeze %dma_start3A_46 : memref<1x3x224x224xf32, #tpu.memory_space<any>> -> memref<3x224x224xf32, #tpu.memory_space<any>>
    tpu.enqueue_dma source(%dma_start3A_47 : memref<3x224x224xf32, #tpu.memory_space<any>>) target(%dma_start3A_42 : memref<3x224x224xf32, #tpu.memory_space<vmem>>) target_semaphore(%dma_start3A_37 : memref<!tpu.dma_semaphore, #tpu.memory_space<semaphore_mem>>)
    %rem3A_48 = arith.constant 3 : i32
    %rem3A_49 = arith.constant 24 : i32
    %rem3A_50 = arith.remsi %rem3A_48, %rem3A_49 : i32
    %get3A_51 = arith.constant 3 : index
    %get3A_52 = memref.load %arg0[%get3A_51] : memref<128xi32, #tpu.memory_space<smem>>
    %dma_start3A_53 = tpu.memref_slice %arg4[%rem3A_50] : memref<24x!tpu.dma_semaphore, #tpu.memory_space<semaphore_mem>> -> memref<1x!tpu.dma_semaphore, #tpu.memory_space<semaphore_mem>>
    %dma_start3A_54 = tpu.memref_squeeze %dma_start3A_53 : memref<1x!tpu.dma_semaphore, #tpu.memory_space<semaphore_mem>> -> memref<!tpu.dma_semaphore, #tpu.memory_space<semaphore_mem>>
    %dma_start3A_55 = arith.constant 0 : i32
    %dma_start3A_56 = arith.constant 0 : i32
    %dma_start3A_57 = arith.constant 0 : i32
    %dma_start3A_58 = tpu.memref_slice %arg3[%rem3A_50, %dma_start3A_55, %dma_start3A_56, %dma_start3A_57] : memref<24x3x224x224xf32, #tpu.memory_space<vmem>> -> memref<1x3x224x224xf32, #tpu.memory_space<vmem>>
    %dma_start3A_59 = tpu.memref_squeeze %dma_start3A_58 : memref<1x3x224x224xf32, #tpu.memory_space<vmem>> -> memref<3x224x224xf32, #tpu.memory_space<vmem>>
    %dma_start3A_60 = arith.constant 0 : i32
    %dma_start3A_61 = arith.constant 0 : i32
    %dma_start3A_62 = arith.constant 0 : i32
    %dma_start3A_63 = tpu.memref_slice %arg1[%get3A_52, %dma_start3A_60, %dma_start3A_61, %dma_start3A_62] : memref<192x3x224x224xf32, #tpu.memory_space<any>> -> memref<1x3x224x224xf32, #tpu.memory_space<any>>
    %dma_start3A_64 = tpu.memref_squeeze %dma_start3A_63 : memref<1x3x224x224xf32, #tpu.memory_space<any>> -> memref<3x224x224xf32, #tpu.memory_space<any>>
    tpu.enqueue_dma source(%dma_start3A_64 : memref<3x224x224xf32, #tpu.memory_space<any>>) target(%dma_start3A_59 : memref<3x224x224xf32, #tpu.memory_space<vmem>>) target_semaphore(%dma_start3A_54 : memref<!tpu.dma_semaphore, #tpu.memory_space<semaphore_mem>>)
    %rem3A_65 = arith.constant 4 : i32
    %rem3A_66 = arith.constant 24 : i32
    %rem3A_67 = arith.remsi %rem3A_65, %rem3A_66 : i32
    %get3A_68 = arith.constant 4 : index
    %get3A_69 = memref.load %arg0[%get3A_68] : memref<128xi32, #tpu.memory_space<smem>>
    %dma_start3A_70 = tpu.memref_slice %arg4[%rem3A_67] : memref<24x!tpu.dma_semaphore, #tpu.memory_space<semaphore_mem>> -> memref<1x!tpu.dma_semaphore, #tpu.memory_space<semaphore_mem>>
    %dma_start3A_71 = tpu.memref_squeeze %dma_start3A_70 : memref<1x!tpu.dma_semaphore, #tpu.memory_space<semaphore_mem>> -> memref<!tpu.dma_semaphore, #tpu.memory_space<semaphore_mem>>
    %dma_start3A_72 = arith.constant 0 : i32
    %dma_start3A_73 = arith.constant 0 : i32
    %dma_start3A_74 = arith.constant 0 : i32
    %dma_start3A_75 = tpu.memref_slice %arg3[%rem3A_67, %dma_start3A_72, %dma_start3A_73, %dma_start3A_74] : memref<24x3x224x224xf32, #tpu.memory_space<vmem>> -> memref<1x3x224x224xf32, #tpu.memory_space<vmem>>
    %dma_start3A_76 = tpu.memref_squeeze %dma_start3A_75 : memref<1x3x224x224xf32, #tpu.memory_space<vmem>> -> memref<3x224x224xf32, #tpu.memory_space<vmem>>
    %dma_start3A_77 = arith.constant 0 : i32
    %dma_start3A_78 = arith.constant 0 : i32
    %dma_start3A_79 = arith.constant 0 : i32
    %dma_start3A_80 = tpu.memref_slice %arg1[%get3A_69, %dma_start3A_77, %dma_start3A_78, %dma_start3A_79] : memref<192x3x224x224xf32, #tpu.memory_space<any>> -> memref<1x3x224x224xf32, #tpu.memory_space<any>>
    %dma_start3A_81 = tpu.memref_squeeze %dma_start3A_80 : memref<1x3x224x224xf32, #tpu.memory_space<any>> -> memref<3x224x224xf32, #tpu.memory_space<any>>
    tpu.enqueue_dma source(%dma_start3A_81 : memref<3x224x224xf32, #tpu.memory_space<any>>) target(%dma_start3A_76 : memref<3x224x224xf32, #tpu.memory_space<vmem>>) target_semaphore(%dma_start3A_71 : memref<!tpu.dma_semaphore, #tpu.memory_space<semaphore_mem>>)
    %rem3A_82 = arith.constant 5 : i32
    %rem3A_83 = arith.constant 24 : i32
    %rem3A_84 = arith.remsi %rem3A_82, %rem3A_83 : i32
    %get3A_85 = arith.constant 5 : index
    %get3A_86 = memref.load %arg0[%get3A_85] : memref<128xi32, #tpu.memory_space<smem>>
    %dma_start3A_87 = tpu.memref_slice %arg4[%rem3A_84] : memref<24x!tpu.dma_semaphore, #tpu.memory_space<semaphore_mem>> -> memref<1x!tpu.dma_semaphore, #tpu.memory_space<semaphore_mem>>
    %dma_start3A_88 = tpu.memref_squeeze %dma_start3A_87 : memref<1x!tpu.dma_semaphore, #tpu.memory_space<semaphore_mem>> -> memref<!tpu.dma_semaphore, #tpu.memory_space<semaphore_mem>>
    %dma_start3A_89 = arith.constant 0 : i32
    %dma_start3A_90 = arith.constant 0 : i32
    %dma_start3A_91 = arith.constant 0 : i32
    %dma_start3A_92 = tpu.memref_slice %arg3[%rem3A_84, %dma_start3A_89, %dma_start3A_90, %dma_start3A_91] : memref<24x3x224x224xf32, #tpu.memory_space<vmem>> -> memref<1x3x224x224xf32, #tpu.memory_space<vmem>>
    %dma_start3A_93 = tpu.memref_squeeze %dma_start3A_92 : memref<1x3x224x224xf32, #tpu.memory_space<vmem>> -> memref<3x224x224xf32, #tpu.memory_space<vmem>>
    %dma_start3A_94 = arith.constant 0 : i32
    %dma_start3A_95 = arith.constant 0 : i32
    %dma_start3A_96 = arith.constant 0 : i32
    %dma_start3A_97 = tpu.memref_slice %arg1[%get3A_86, %dma_start3A_94, %dma_start3A_95, %dma_start3A_96] : memref<192x3x224x224xf32, #tpu.memory_space<any>> -> memref<1x3x224x224xf32, #tpu.memory_space<any>>
    %dma_start3A_98 = tpu.memref_squeeze %dma_start3A_97 : memref<1x3x224x224xf32, #tpu.memory_space<any>> -> memref<3x224x224xf32, #tpu.memory_space<any>>
    tpu.enqueue_dma source(%dma_start3A_98 : memref<3x224x224xf32, #tpu.memory_space<any>>) target(%dma_start3A_93 : memref<3x224x224xf32, #tpu.memory_space<vmem>>) target_semaphore(%dma_start3A_88 : memref<!tpu.dma_semaphore, #tpu.memory_space<semaphore_mem>>)
    %rem3A_99 = arith.constant 6 : i32
    %rem3A_100 = arith.constant 24 : i32
    %rem3A_101 = arith.remsi %rem3A_99, %rem3A_100 : i32
    %get3A_102 = arith.constant 6 : index
    %get3A_103 = memref.load %arg0[%get3A_102] : memref<128xi32, #tpu.memory_space<smem>>
    %dma_start3A_104 = tpu.memref_slice %arg4[%rem3A_101] : memref<24x!tpu.dma_semaphore, #tpu.memory_space<semaphore_mem>> -> memref<1x!tpu.dma_semaphore, #tpu.memory_space<semaphore_mem>>
    %dma_start3A_105 = tpu.memref_squeeze %dma_start3A_104 : memref<1x!tpu.dma_semaphore, #tpu.memory_space<semaphore_mem>> -> memref<!tpu.dma_semaphore, #tpu.memory_space<semaphore_mem>>
    %dma_start3A_106 = arith.constant 0 : i32
    %dma_start3A_107 = arith.constant 0 : i32
    %dma_start3A_108 = arith.constant 0 : i32
    %dma_start3A_109 = tpu.memref_slice %arg3[%rem3A_101, %dma_start3A_106, %dma_start3A_107, %dma_start3A_108] : memref<24x3x224x224xf32, #tpu.memory_space<vmem>> -> memref<1x3x224x224xf32, #tpu.memory_space<vmem>>
    %dma_start3A_110 = tpu.memref_squeeze %dma_start3A_109 : memref<1x3x224x224xf32, #tpu.memory_space<vmem>> -> memref<3x224x224xf32, #tpu.memory_space<vmem>>
    %dma_start3A_111 = arith.constant 0 : i32
    %dma_start3A_112 = arith.constant 0 : i32
    %dma_start3A_113 = arith.constant 0 : i32
    %dma_start3A_114 = tpu.memref_slice %arg1[%get3A_103, %dma_start3A_111, %dma_start3A_112, %dma_start3A_113] : memref<192x3x224x224xf32, #tpu.memory_space<any>> -> memref<1x3x224x224xf32, #tpu.memory_space<any>>
    %dma_start3A_115 = tpu.memref_squeeze %dma_start3A_114 : memref<1x3x224x224xf32, #tpu.memory_space<any>> -> memref<3x224x224xf32, #tpu.memory_space<any>>
    tpu.enqueue_dma source(%dma_start3A_115 : memref<3x224x224xf32, #tpu.memory_space<any>>) target(%dma_start3A_110 : memref<3x224x224xf32, #tpu.memory_space<vmem>>) target_semaphore(%dma_start3A_105 : memref<!tpu.dma_semaphore, #tpu.memory_space<semaphore_mem>>)
    %rem3A_116 = arith.constant 7 : i32
    %rem3A_117 = arith.constant 24 : i32
    %rem3A_118 = arith.remsi %rem3A_116, %rem3A_117 : i32
    %get3A_119 = arith.constant 7 : index
    %get3A_120 = memref.load %arg0[%get3A_119] : memref<128xi32, #tpu.memory_space<smem>>
    %dma_start3A_121 = tpu.memref_slice %arg4[%rem3A_118] : memref<24x!tpu.dma_semaphore, #tpu.memory_space<semaphore_mem>> -> memref<1x!tpu.dma_semaphore, #tpu.memory_space<semaphore_mem>>
    %dma_start3A_122 = tpu.memref_squeeze %dma_start3A_121 : memref<1x!tpu.dma_semaphore, #tpu.memory_space<semaphore_mem>> -> memref<!tpu.dma_semaphore, #tpu.memory_space<semaphore_mem>>
    %dma_start3A_123 = arith.constant 0 : i32
    %dma_start3A_124 = arith.constant 0 : i32
    %dma_start3A_125 = arith.constant 0 : i32
    %dma_start3A_126 = tpu.memref_slice %arg3[%rem3A_118, %dma_start3A_123, %dma_start3A_124, %dma_start3A_125] : memref<24x3x224x224xf32, #tpu.memory_space<vmem>> -> memref<1x3x224x224xf32, #tpu.memory_space<vmem>>
    %dma_start3A_127 = tpu.memref_squeeze %dma_start3A_126 : memref<1x3x224x224xf32, #tpu.memory_space<vmem>> -> memref<3x224x224xf32, #tpu.memory_space<vmem>>
    %dma_start3A_128 = arith.constant 0 : i32
    %dma_start3A_129 = arith.constant 0 : i32
    %dma_start3A_130 = arith.constant 0 : i32
    %dma_start3A_131 = tpu.memref_slice %arg1[%get3A_120, %dma_start3A_128, %dma_start3A_129, %dma_start3A_130] : memref<192x3x224x224xf32, #tpu.memory_space<any>> -> memref<1x3x224x224xf32, #tpu.memory_space<any>>
    %dma_start3A_132 = tpu.memref_squeeze %dma_start3A_131 : memref<1x3x224x224xf32, #tpu.memory_space<any>> -> memref<3x224x224xf32, #tpu.memory_space<any>>
    tpu.enqueue_dma source(%dma_start3A_132 : memref<3x224x224xf32, #tpu.memory_space<any>>) target(%dma_start3A_127 : memref<3x224x224xf32, #tpu.memory_space<vmem>>) target_semaphore(%dma_start3A_122 : memref<!tpu.dma_semaphore, #tpu.memory_space<semaphore_mem>>)
    %rem3A_133 = arith.constant 8 : i32
    %rem3A_134 = arith.constant 24 : i32
    %rem3A_135 = arith.remsi %rem3A_133, %rem3A_134 : i32
    %get3A_136 = arith.constant 8 : index
    %get3A_137 = memref.load %arg0[%get3A_136] : memref<128xi32, #tpu.memory_space<smem>>
    %dma_start3A_138 = tpu.memref_slice %arg4[%rem3A_135] : memref<24x!tpu.dma_semaphore, #tpu.memory_space<semaphore_mem>> -> memref<1x!tpu.dma_semaphore, #tpu.memory_space<semaphore_mem>>
    %dma_start3A_139 = tpu.memref_squeeze %dma_start3A_138 : memref<1x!tpu.dma_semaphore, #tpu.memory_space<semaphore_mem>> -> memref<!tpu.dma_semaphore, #tpu.memory_space<semaphore_mem>>
    %dma_start3A_140 = arith.constant 0 : i32
    %dma_start3A_141 = arith.constant 0 : i32
    %dma_start3A_142 = arith.constant 0 : i32
    %dma_start3A_143 = tpu.memref_slice %arg3[%rem3A_135, %dma_start3A_140, %dma_start3A_141, %dma_start3A_142] : memref<24x3x224x224xf32, #tpu.memory_space<vmem>> -> memref<1x3x224x224xf32, #tpu.memory_space<vmem>>
    %dma_start3A_144 = tpu.memref_squeeze %dma_start3A_143 : memref<1x3x224x224xf32, #tpu.memory_space<vmem>> -> memref<3x224x224xf32, #tpu.memory_space<vmem>>
    %dma_start3A_145 = arith.constant 0 : i32
    %dma_start3A_146 = arith.constant 0 : i32
    %dma_start3A_147 = arith.constant 0 : i32
    %dma_start3A_148 = tpu.memref_slice %arg1[%get3A_137, %dma_start3A_145, %dma_start3A_146, %dma_start3A_147] : memref<192x3x224x224xf32, #tpu.memory_space<any>> -> memref<1x3x224x224xf32, #tpu.memory_space<any>>
    %dma_start3A_149 = tpu.memref_squeeze %dma_start3A_148 : memref<1x3x224x224xf32, #tpu.memory_space<any>> -> memref<3x224x224xf32, #tpu.memory_space<any>>
    tpu.enqueue_dma source(%dma_start3A_149 : memref<3x224x224xf32, #tpu.memory_space<any>>) target(%dma_start3A_144 : memref<3x224x224xf32, #tpu.memory_space<vmem>>) target_semaphore(%dma_start3A_139 : memref<!tpu.dma_semaphore, #tpu.memory_space<semaphore_mem>>)
    %rem3A_150 = arith.constant 9 : i32
    %rem3A_151 = arith.constant 24 : i32
    %rem3A_152 = arith.remsi %rem3A_150, %rem3A_151 : i32
    %get3A_153 = arith.constant 9 : index
    %get3A_154 = memref.load %arg0[%get3A_153] : memref<128xi32, #tpu.memory_space<smem>>
    %dma_start3A_155 = tpu.memref_slice %arg4[%rem3A_152] : memref<24x!tpu.dma_semaphore, #tpu.memory_space<semaphore_mem>> -> memref<1x!tpu.dma_semaphore, #tpu.memory_space<semaphore_mem>>
    %dma_start3A_156 = tpu.memref_squeeze %dma_start3A_155 : memref<1x!tpu.dma_semaphore, #tpu.memory_space<semaphore_mem>> -> memref<!tpu.dma_semaphore, #tpu.memory_space<semaphore_mem>>
    %dma_start3A_157 = arith.constant 0 : i32
    %dma_start3A_158 = arith.constant 0 : i32
    %dma_start3A_159 = arith.constant 0 : i32
    %dma_start3A_160 = tpu.memref_slice %arg3[%rem3A_152, %dma_start3A_157, %dma_start3A_158, %dma_start3A_159] : memref<24x3x224x224xf32, #tpu.memory_space<vmem>> -> memref<1x3x224x224xf32, #tpu.memory_space<vmem>>
    %dma_start3A_161 = tpu.memref_squeeze %dma_start3A_160 : memref<1x3x224x224xf32, #tpu.memory_space<vmem>> -> memref<3x224x224xf32, #tpu.memory_space<vmem>>
    %dma_start3A_162 = arith.constant 0 : i32
    %dma_start3A_163 = arith.constant 0 : i32
    %dma_start3A_164 = arith.constant 0 : i32
    %dma_start3A_165 = tpu.memref_slice %arg1[%get3A_154, %dma_start3A_162, %dma_start3A_163, %dma_start3A_164] : memref<192x3x224x224xf32, #tpu.memory_space<any>> -> memref<1x3x224x224xf32, #tpu.memory_space<any>>
    %dma_start3A_166 = tpu.memref_squeeze %dma_start3A_165 : memref<1x3x224x224xf32, #tpu.memory_space<any>> -> memref<3x224x224xf32, #tpu.memory_space<any>>
    tpu.enqueue_dma source(%dma_start3A_166 : memref<3x224x224xf32, #tpu.memory_space<any>>) target(%dma_start3A_161 : memref<3x224x224xf32, #tpu.memory_space<vmem>>) target_semaphore(%dma_start3A_156 : memref<!tpu.dma_semaphore, #tpu.memory_space<semaphore_mem>>)
    %rem3A_167 = arith.constant 10 : i32
    %rem3A_168 = arith.constant 24 : i32
    %rem3A_169 = arith.remsi %rem3A_167, %rem3A_168 : i32
    %get3A_170 = arith.constant 10 : index
    %get3A_171 = memref.load %arg0[%get3A_170] : memref<128xi32, #tpu.memory_space<smem>>
    %dma_start3A_172 = tpu.memref_slice %arg4[%rem3A_169] : memref<24x!tpu.dma_semaphore, #tpu.memory_space<semaphore_mem>> -> memref<1x!tpu.dma_semaphore, #tpu.memory_space<semaphore_mem>>
    %dma_start3A_173 = tpu.memref_squeeze %dma_start3A_172 : memref<1x!tpu.dma_semaphore, #tpu.memory_space<semaphore_mem>> -> memref<!tpu.dma_semaphore, #tpu.memory_space<semaphore_mem>>
    %dma_start3A_174 = arith.constant 0 : i32
    %dma_start3A_175 = arith.constant 0 : i32
    %dma_start3A_176 = arith.constant 0 : i32
    %dma_start3A_177 = tpu.memref_slice %arg3[%rem3A_169, %dma_start3A_174, %dma_start3A_175, %dma_start3A_176] : memref<24x3x224x224xf32, #tpu.memory_space<vmem>> -> memref<1x3x224x224xf32, #tpu.memory_space<vmem>>
    %dma_start3A_178 = tpu.memref_squeeze %dma_start3A_177 : memref<1x3x224x224xf32, #tpu.memory_space<vmem>> -> memref<3x224x224xf32, #tpu.memory_space<vmem>>
    %dma_start3A_179 = arith.constant 0 : i32
    %dma_start3A_180 = arith.constant 0 : i32
    %dma_start3A_181 = arith.constant 0 : i32
    %dma_start3A_182 = tpu.memref_slice %arg1[%get3A_171, %dma_start3A_179, %dma_start3A_180, %dma_start3A_181] : memref<192x3x224x224xf32, #tpu.memory_space<any>> -> memref<1x3x224x224xf32, #tpu.memory_space<any>>
    %dma_start3A_183 = tpu.memref_squeeze %dma_start3A_182 : memref<1x3x224x224xf32, #tpu.memory_space<any>> -> memref<3x224x224xf32, #tpu.memory_space<any>>
    tpu.enqueue_dma source(%dma_start3A_183 : memref<3x224x224xf32, #tpu.memory_space<any>>) target(%dma_start3A_178 : memref<3x224x224xf32, #tpu.memory_space<vmem>>) target_semaphore(%dma_start3A_173 : memref<!tpu.dma_semaphore, #tpu.memory_space<semaphore_mem>>)
    %rem3A_184 = arith.constant 11 : i32
    %rem3A_185 = arith.constant 24 : i32
    %rem3A_186 = arith.remsi %rem3A_184, %rem3A_185 : i32
    %get3A_187 = arith.constant 11 : index
    %get3A_188 = memref.load %arg0[%get3A_187] : memref<128xi32, #tpu.memory_space<smem>>
    %dma_start3A_189 = tpu.memref_slice %arg4[%rem3A_186] : memref<24x!tpu.dma_semaphore, #tpu.memory_space<semaphore_mem>> -> memref<1x!tpu.dma_semaphore, #tpu.memory_space<semaphore_mem>>
    %dma_start3A_190 = tpu.memref_squeeze %dma_start3A_189 : memref<1x!tpu.dma_semaphore, #tpu.memory_space<semaphore_mem>> -> memref<!tpu.dma_semaphore, #tpu.memory_space<semaphore_mem>>
    %dma_start3A_191 = arith.constant 0 : i32
    %dma_start3A_192 = arith.constant 0 : i32
    %dma_start3A_193 = arith.constant 0 : i32
    %dma_start3A_194 = tpu.memref_slice %arg3[%rem3A_186, %dma_start3A_191, %dma_start3A_192, %dma_start3A_193] : memref<24x3x224x224xf32, #tpu.memory_space<vmem>> -> memref<1x3x224x224xf32, #tpu.memory_space<vmem>>
    %dma_start3A_195 = tpu.memref_squeeze %dma_start3A_194 : memref<1x3x224x224xf32, #tpu.memory_space<vmem>> -> memref<3x224x224xf32, #tpu.memory_space<vmem>>
    %dma_start3A_196 = arith.constant 0 : i32
    %dma_start3A_197 = arith.constant 0 : i32
    %dma_start3A_198 = arith.constant 0 : i32
    %dma_start3A_199 = tpu.memref_slice %arg1[%get3A_188, %dma_start3A_196, %dma_start3A_197, %dma_start3A_198] : memref<192x3x224x224xf32, #tpu.memory_space<any>> -> memref<1x3x224x224xf32, #tpu.memory_space<any>>
    %dma_start3A_200 = tpu.memref_squeeze %dma_start3A_199 : memref<1x3x224x224xf32, #tpu.memory_space<any>> -> memref<3x224x224xf32, #tpu.memory_space<any>>
    tpu.enqueue_dma source(%dma_start3A_200 : memref<3x224x224xf32, #tpu.memory_space<any>>) target(%dma_start3A_195 : memref<3x224x224xf32, #tpu.memory_space<vmem>>) target_semaphore(%dma_start3A_190 : memref<!tpu.dma_semaphore, #tpu.memory_space<semaphore_mem>>)
    %scan3A = arith.constant 0 : i32
    %scan3A_201 = arith.constant 128 : i32
    %scan3A_202 = arith.addi %scan3A, %scan3A_201 : i32
    %scan3A_203 = arith.constant 1 : i32
    scf.for %scan3A_210 = %scan3A to %scan3A_202 step %scan3A_203  : i32 {
      %add3A = arith.constant 12 : i32
      %add3A_211 = arith.addi %scan3A_210, %add3A : i32
      %lt3A = arith.constant 128 : i32
      %lt3A_212 = arith.cmpi slt, %add3A_211, %lt3A : i32
      %convert_element_type3A = arith.extui %lt3A_212 : i1 to i32
      %cond3A = arith.constant 0 : i32
      %cond3A_213 = arith.cmpi ne, %convert_element_type3A, %cond3A : i32
      scf.if %cond3A_213 {
        %ge3A = arith.constant 24 : i32
        %ge3A_243 = arith.cmpi sge, %add3A_211, %ge3A : i32
        %convert_element_type3A_244 = arith.extui %ge3A_243 : i1 to i32
        %cond3A_245 = arith.constant 0 : i32
        %cond3A_246 = arith.cmpi ne, %convert_element_type3A_244, %cond3A_245 : i32
        scf.if %cond3A_246 {
          %sub3A = arith.constant 24 : i32
          %sub3A_263 = arith.subi %add3A_211, %sub3A : i32
          %rem3A_264 = arith.constant 24 : i32
          %rem3A_265 = arith.remsi %sub3A_263, %rem3A_264 : i32
          %dma_wait3A_266 = tpu.memref_slice %arg5[%rem3A_265] : memref<24x!tpu.dma_semaphore, #tpu.memory_space<semaphore_mem>> -> memref<1x!tpu.dma_semaphore, #tpu.memory_space<semaphore_mem>>
          %dma_wait3A_267 = tpu.memref_squeeze %dma_wait3A_266 : memref<1x!tpu.dma_semaphore, #tpu.memory_space<semaphore_mem>> -> memref<!tpu.dma_semaphore, #tpu.memory_space<semaphore_mem>>
          %dma_wait3A_268 = arith.constant 0 : i32
          %dma_wait3A_269 = arith.constant 0 : i32
          %dma_wait3A_270 = arith.constant 0 : i32
          %dma_wait3A_271 = tpu.memref_slice %arg2[%sub3A_263, %dma_wait3A_268, %dma_wait3A_269, %dma_wait3A_270] : memref<128x3x224x224xf32, #tpu.memory_space<any>> -> memref<1x3x224x224xf32, #tpu.memory_space<any>>
          %dma_wait3A_272 = tpu.memref_squeeze %dma_wait3A_271 : memref<1x3x224x224xf32, #tpu.memory_space<any>> -> memref<3x224x224xf32, #tpu.memory_space<any>>
          %dma_wait3A_273 = arith.constant 0 : i32
          %dma_wait3A_274 = arith.constant 0 : i32
          %dma_wait3A_275 = arith.constant 0 : i32
          %dma_wait3A_276 = tpu.memref_slice %arg3[%rem3A_265, %dma_wait3A_273, %dma_wait3A_274, %dma_wait3A_275] : memref<24x3x224x224xf32, #tpu.memory_space<vmem>> -> memref<1x3x224x224xf32, #tpu.memory_space<vmem>>
          %dma_wait3A_277 = tpu.memref_squeeze %dma_wait3A_276 : memref<1x3x224x224xf32, #tpu.memory_space<vmem>> -> memref<3x224x224xf32, #tpu.memory_space<vmem>>
          tpu.wait_dma2 semaphore(%dma_wait3A_267 : memref<!tpu.dma_semaphore, #tpu.memory_space<semaphore_mem>>) src(%dma_wait3A_277 : memref<3x224x224xf32, #tpu.memory_space<vmem>>) dst(%dma_wait3A_272 : memref<3x224x224xf32, #tpu.memory_space<any>>)
        } else {
        }
        %rem3A_247 = arith.constant 24 : i32
        %rem3A_248 = arith.remsi %add3A_211, %rem3A_247 : i32
        %get3A_249 = arith.index_cast %add3A_211 : i32 to index
        %get3A_250 = memref.load %arg0[%get3A_249] : memref<128xi32, #tpu.memory_space<smem>>
        %dma_start3A_251 = tpu.memref_slice %arg4[%rem3A_248] : memref<24x!tpu.dma_semaphore, #tpu.memory_space<semaphore_mem>> -> memref<1x!tpu.dma_semaphore, #tpu.memory_space<semaphore_mem>>
        %dma_start3A_252 = tpu.memref_squeeze %dma_start3A_251 : memref<1x!tpu.dma_semaphore, #tpu.memory_space<semaphore_mem>> -> memref<!tpu.dma_semaphore, #tpu.memory_space<semaphore_mem>>
        %dma_start3A_253 = arith.constant 0 : i32
        %dma_start3A_254 = arith.constant 0 : i32
        %dma_start3A_255 = arith.constant 0 : i32
        %dma_start3A_256 = tpu.memref_slice %arg3[%rem3A_248, %dma_start3A_253, %dma_start3A_254, %dma_start3A_255] : memref<24x3x224x224xf32, #tpu.memory_space<vmem>> -> memref<1x3x224x224xf32, #tpu.memory_space<vmem>>
        %dma_start3A_257 = tpu.memref_squeeze %dma_start3A_256 : memref<1x3x224x224xf32, #tpu.memory_space<vmem>> -> memref<3x224x224xf32, #tpu.memory_space<vmem>>
        %dma_start3A_258 = arith.constant 0 : i32
        %dma_start3A_259 = arith.constant 0 : i32
        %dma_start3A_260 = arith.constant 0 : i32
        %dma_start3A_261 = tpu.memref_slice %arg1[%get3A_250, %dma_start3A_258, %dma_start3A_259, %dma_start3A_260] : memref<192x3x224x224xf32, #tpu.memory_space<any>> -> memref<1x3x224x224xf32, #tpu.memory_space<any>>
        %dma_start3A_262 = tpu.memref_squeeze %dma_start3A_261 : memref<1x3x224x224xf32, #tpu.memory_space<any>> -> memref<3x224x224xf32, #tpu.memory_space<any>>
        tpu.enqueue_dma source(%dma_start3A_262 : memref<3x224x224xf32, #tpu.memory_space<any>>) target(%dma_start3A_257 : memref<3x224x224xf32, #tpu.memory_space<vmem>>) target_semaphore(%dma_start3A_252 : memref<!tpu.dma_semaphore, #tpu.memory_space<semaphore_mem>>)
      } else {
      }
      %rem3A_214 = arith.constant 24 : i32
      %rem3A_215 = arith.remsi %scan3A_210, %rem3A_214 : i32
      %get3A_216 = arith.index_cast %scan3A_210 : i32 to index
      %get3A_217 = memref.load %arg0[%get3A_216] : memref<128xi32, #tpu.memory_space<smem>>
      %dma_wait3A = tpu.memref_slice %arg4[%rem3A_215] : memref<24x!tpu.dma_semaphore, #tpu.memory_space<semaphore_mem>> -> memref<1x!tpu.dma_semaphore, #tpu.memory_space<semaphore_mem>>
      %dma_wait3A_218 = tpu.memref_squeeze %dma_wait3A : memref<1x!tpu.dma_semaphore, #tpu.memory_space<semaphore_mem>> -> memref<!tpu.dma_semaphore, #tpu.memory_space<semaphore_mem>>
      %dma_wait3A_219 = arith.constant 0 : i32
      %dma_wait3A_220 = arith.constant 0 : i32
      %dma_wait3A_221 = arith.constant 0 : i32
      %dma_wait3A_222 = tpu.memref_slice %arg3[%rem3A_215, %dma_wait3A_219, %dma_wait3A_220, %dma_wait3A_221] : memref<24x3x224x224xf32, #tpu.memory_space<vmem>> -> memref<1x3x224x224xf32, #tpu.memory_space<vmem>>
      %dma_wait3A_223 = tpu.memref_squeeze %dma_wait3A_222 : memref<1x3x224x224xf32, #tpu.memory_space<vmem>> -> memref<3x224x224xf32, #tpu.memory_space<vmem>>
      %dma_wait3A_224 = arith.constant 0 : i32
      %dma_wait3A_225 = arith.constant 0 : i32
      %dma_wait3A_226 = arith.constant 0 : i32
      %dma_wait3A_227 = tpu.memref_slice %arg1[%get3A_217, %dma_wait3A_224, %dma_wait3A_225, %dma_wait3A_226] : memref<192x3x224x224xf32, #tpu.memory_space<any>> -> memref<1x3x224x224xf32, #tpu.memory_space<any>>
      %dma_wait3A_228 = tpu.memref_squeeze %dma_wait3A_227 : memref<1x3x224x224xf32, #tpu.memory_space<any>> -> memref<3x224x224xf32, #tpu.memory_space<any>>
      tpu.wait_dma2 semaphore(%dma_wait3A_218 : memref<!tpu.dma_semaphore, #tpu.memory_space<semaphore_mem>>) src(%dma_wait3A_228 : memref<3x224x224xf32, #tpu.memory_space<any>>) dst(%dma_wait3A_223 : memref<3x224x224xf32, #tpu.memory_space<vmem>>)
      %rem3A_229 = arith.constant 24 : i32
      %rem3A_230 = arith.remsi %scan3A_210, %rem3A_229 : i32
      %dma_start3A_231 = tpu.memref_slice %arg5[%rem3A_230] : memref<24x!tpu.dma_semaphore, #tpu.memory_space<semaphore_mem>> -> memref<1x!tpu.dma_semaphore, #tpu.memory_space<semaphore_mem>>
      %dma_start3A_232 = tpu.memref_squeeze %dma_start3A_231 : memref<1x!tpu.dma_semaphore, #tpu.memory_space<semaphore_mem>> -> memref<!tpu.dma_semaphore, #tpu.memory_space<semaphore_mem>>
      %dma_start3A_233 = arith.constant 0 : i32
      %dma_start3A_234 = arith.constant 0 : i32
      %dma_start3A_235 = arith.constant 0 : i32
      %dma_start3A_236 = tpu.memref_slice %arg2[%scan3A_210, %dma_start3A_233, %dma_start3A_234, %dma_start3A_235] : memref<128x3x224x224xf32, #tpu.memory_space<any>> -> memref<1x3x224x224xf32, #tpu.memory_space<any>>
      %dma_start3A_237 = tpu.memref_squeeze %dma_start3A_236 : memref<1x3x224x224xf32, #tpu.memory_space<any>> -> memref<3x224x224xf32, #tpu.memory_space<any>>
      %dma_start3A_238 = arith.constant 0 : i32
      %dma_start3A_239 = arith.constant 0 : i32
      %dma_start3A_240 = arith.constant 0 : i32
      %dma_start3A_241 = tpu.memref_slice %arg3[%rem3A_230, %dma_start3A_238, %dma_start3A_239, %dma_start3A_240] : memref<24x3x224x224xf32, #tpu.memory_space<vmem>> -> memref<1x3x224x224xf32, #tpu.memory_space<vmem>>
      %dma_start3A_242 = tpu.memref_squeeze %dma_start3A_241 : memref<1x3x224x224xf32, #tpu.memory_space<vmem>> -> memref<3x224x224xf32, #tpu.memory_space<vmem>>
      tpu.enqueue_dma source(%dma_start3A_242 : memref<3x224x224xf32, #tpu.memory_space<vmem>>) target(%dma_start3A_237 : memref<3x224x224xf32, #tpu.memory_space<any>>) target_semaphore(%dma_start3A_232 : memref<!tpu.dma_semaphore, #tpu.memory_space<semaphore_mem>>)
    }
    %scan3A_204 = arith.constant 128 : i32
    %scan3A_205 = arith.constant 104 : i32
    %scan3A_206 = arith.constant 24 : i32
    %scan3A_207 = arith.addi %scan3A_205, %scan3A_206 : i32
    %scan3A_208 = arith.constant 1 : i32
    scf.for %scan3A_210 = %scan3A_205 to %scan3A_207 step %scan3A_208  : i32 {
      %rem3A_211 = arith.constant 24 : i32
      %rem3A_212 = arith.remsi %scan3A_210, %rem3A_211 : i32
      %dma_wait3A = tpu.memref_slice %arg5[%rem3A_212] : memref<24x!tpu.dma_semaphore, #tpu.memory_space<semaphore_mem>> -> memref<1x!tpu.dma_semaphore, #tpu.memory_space<semaphore_mem>>
      %dma_wait3A_213 = tpu.memref_squeeze %dma_wait3A : memref<1x!tpu.dma_semaphore, #tpu.memory_space<semaphore_mem>> -> memref<!tpu.dma_semaphore, #tpu.memory_space<semaphore_mem>>
      %dma_wait3A_214 = arith.constant 0 : i32
      %dma_wait3A_215 = arith.constant 0 : i32
      %dma_wait3A_216 = arith.constant 0 : i32
      %dma_wait3A_217 = tpu.memref_slice %arg2[%scan3A_210, %dma_wait3A_214, %dma_wait3A_215, %dma_wait3A_216] : memref<128x3x224x224xf32, #tpu.memory_space<any>> -> memref<1x3x224x224xf32, #tpu.memory_space<any>>
      %dma_wait3A_218 = tpu.memref_squeeze %dma_wait3A_217 : memref<1x3x224x224xf32, #tpu.memory_space<any>> -> memref<3x224x224xf32, #tpu.memory_space<any>>
      %dma_wait3A_219 = arith.constant 0 : i32
      %dma_wait3A_220 = arith.constant 0 : i32
      %dma_wait3A_221 = arith.constant 0 : i32
      %dma_wait3A_222 = tpu.memref_slice %arg3[%rem3A_212, %dma_wait3A_219, %dma_wait3A_220, %dma_wait3A_221] : memref<24x3x224x224xf32, #tpu.memory_space<vmem>> -> memref<1x3x224x224xf32, #tpu.memory_space<vmem>>
      %dma_wait3A_223 = tpu.memref_squeeze %dma_wait3A_222 : memref<1x3x224x224xf32, #tpu.memory_space<vmem>> -> memref<3x224x224xf32, #tpu.memory_space<vmem>>
      tpu.wait_dma2 semaphore(%dma_wait3A_213 : memref<!tpu.dma_semaphore, #tpu.memory_space<semaphore_mem>>) src(%dma_wait3A_223 : memref<3x224x224xf32, #tpu.memory_space<vmem>>) dst(%dma_wait3A_218 : memref<3x224x224xf32, #tpu.memory_space<any>>)
    }
    %scan3A_209 = arith.constant 24 : i32
    return
  }
}

</mosaic_0001>

<sc_bundles>
// kernel: kernel.4.cloned.1.call-start
scs
__scs_entry_jumppad:
0x0: {  	(pc) =	sbr.rel $0x88, $3  }
0x1: {  	(tag) =	ssettag $0x0;
	lr =	simm.s32 $0x1  }
0x2: {  	[smem:$0x3F9E] =	sst lr;
	_ =	strace $0xD0000000  }
0x3: {  	_ = 	snop  }
0x4: {  	_ = 	snop  }
0x5: {  	_ = 	snop  }
0x6: {  	_ = 	snop  }
0x7: {  	_ = 	snop  }
__scs_overlays_trampoline_lowered:
0x8: {  	[smem:$0x3FAD] =	sst s0  }
0x9: {  	[smem:$0x3FAE] =	sst s1  }
0xa: {  	[smem:$0x3FAF] =	sst s2  }
0xb: {  	[smem:$0x3FB0] =	sst s3  }
0xc: {  	[smem:$0x3FB1] =	sst s4  }
0xd: {  	[smem:$0x3FB2] =	sst s5  }
0xe: {  	[smem:$0x3FB3] =	sst s6  }
0xf: {  	[smem:$0x3FB4] =	sst s7  }
0x10: {  	[smem:$0x3FB5] =	sst s8  }
0x11: {  	[smem:$0x3FB6] =	sst s9;
	s0 =	simm.s32 @!p0 $0x0  }
0x12: {  	s1 =	sld [smem:$0x3F9C];
	s0 =	simm.s32 @p0 $0x1  }
0x13: {  	[smem:$0x3FB7] =	sst s0;
	s0 =	simm.s32 @!p1 $0x0  }
0x14: {  	s2 =	sld [smem:$0x3F9B];
	s0 =	simm.s32 @p1 $0x1  }
0x15: {  	[smem:$0x3FB8] =	sst s0;
	s0 =	simm.s32 @!p2 $0x0  }
0x16: {  	s3 =	sld [smem:$0x3FDB];
	s0 =	simm.s32 @p2 $0x1  }
0x17: {  	s4 =	simm.s32 $0x1BF5;
	[smem:$0x3FBA] =	sst s0  }
0x18: {  	s0 =	sld [smem:$0x3F9D];
	_ =	swait.ge [sflag:s4], $0x0  }
0x19: {  	s7 =	sld [smem:$0x3F9E]  }
0x1a: {  	s8 =	sadd.s32 $0xFFFFE003, lr  }
0x1b: {  	s9 =	sadd.s32 $0xFFFFFEF7, lr;
	s5 =	simm.s32 $0xFFFFFFFF;
	p2 =	slt.u32 s8, $0xFFFFF086  }
0x1c: {  	p1 =	slt.u32 s9, $0xF7A;
	s5 =	simm.s32 @!p2 $0x0  }
0x1d: {  	s5 =	simm.s32 @p1 $0x1;
	p0 =	seq.s32 s7, s2  }
0x1e: {  	s7 =	smul.u32 @!p0 $0xF7A, s2;
	p2 =	seq.s32 @!p0 s5, $0x0  }
0x1f: {  	s9 =	smul.u32 $0xF7A, s1;
	s8 =	simm.s32 @!p0 $0x1BF5;
	p2 =	por !p2, p0  }
0x20: {  	[sflag:s8] =	ssyncset.s32 @!p0 $0xFFFFF086;
	s6 =	sadd.s32 @!p0 s3, s7;
	s7 =	simm.s32 @!p0 $0x108  }
0x21: {  	s3 =	sadd.s32 s3, s9;
	s6 =	sadd.s32 @!p0 $0x88, s6;
	s7 =	simm.s32 @p2 $0x1082  }
0x22: {  	[simem:s7], [sflag:s8] =	dma.local @!p0 [hbm:s6], $0xF7A  }
0x23: {  	s9 =	sor.u32 $0xD0000000, s2;
	s6 =	simm.s32 $0x108;
	_ =	swait.ge @!p0 [sflag:s8], $0x0  }
0x24: {  	s3 =	sadd.s32 $0x88, s3;
	s6 =	simm.s32 @!p1 $0x1082;
	[sflag:s4] =	ssyncset.s32 $0xFFFFF086  }
0x25: {  	[simem:s6], [sflag:s4] =	dma.local [hbm:s3], $0xF7A  }
0x26: {  	[smem:$0x3F9E] =	sst s1;
	(tag) =	ssettag s2;
	_ =	strace s9  }
0x27: {  	s1 =	sld [smem:$0x3FAE]  }
0x28: {  	s2 =	sld [smem:$0x3FAF]  }
0x29: {  	s4 =	sld [smem:$0x3FB1]  }
0x2a: {  	p0 =	seq.s32 s5, $0x0;
	s5 =	sld [smem:$0x3FB2]  }
0x2b: {  	s6 =	sld [smem:$0x3FB3]  }
0x2c: {  	s7 =	sld [smem:$0x3FB4]  }
0x2d: {  	s3 =	simm.s32 $0x108;
	s8 =	sld [smem:$0x3FB5]  }
0x2e: {  	s3 =	simm.s32 @!p0 $0x1082;
	s9 =	sld [smem:$0x3FB6]  }
0x2f: {  	lr =	sadd.s32 s0, s3;
	s0 =	sld [smem:$0x3FAD]  }
0x30: {  	s3 =	sld [smem:$0x3FB0]  }
0x31: {  	[smem:$0x3FB9] =	sst s10  }
0x32: {  	s10 =	sld [smem:$0x3FB7];
	_ =	sdelay $0x3  }
0x33: {  	p0 =	seq.s32 s10, $0x1;
	s10 =	sld [smem:$0x3FB9];
	_ =	sdelay $0x3  }
0x34: {  	[smem:$0x3FB9] =	sst s10  }
0x35: {  	s10 =	sld [smem:$0x3FB8];
	_ =	sdelay $0x3  }
0x36: {  	p1 =	seq.s32 s10, $0x1;
	s10 =	sld [smem:$0x3FB9];
	_ =	sdelay $0x3  }
0x37: {  	[smem:$0x3FB9] =	sst s10  }
0x38: {  	s10 =	sld [smem:$0x3FBA]  }
0x39: {  	_ = 	snop;
	(pc) =	sbr.ind lr, $3  }
0x3a: {  	_ = 	snop  }
0x3b: {  	_ = 	snop  }
0x3c: {  	p2 =	seq.s32 s10, $0x1;
	s10 =	sld [smem:$0x3FB9]  }
0x3d: {  	_ =	shalt  }
0x3e: {  	_ =	shalt  }
0x3f: {  	_ =	shalt  }
0x40: {  	_ =	shalt  }
0x41: {  	_ =	shalt  }
0x42: {  	_ =	shalt  }
0x43: {  	_ =	shalt  }
0x44: {  	_ =	shalt  }
0x45: {  	_ =	shalt  }
0x46: {  	_ =	shalt  }
0x47: {  	_ =	shalt  }
0x48: {  	_ =	shalt  }
0x49: {  	_ =	shalt  }
0x4a: {  	_ =	shalt  }
0x4b: {  	_ =	shalt  }
0x4c: {  	_ =	shalt  }
0x4d: {  	_ =	shalt  }
0x4e: {  	_ =	shalt  }
0x4f: {  	_ =	shalt  }
0x50: {  	_ =	shalt  }
0x51: {  	_ =	shalt  }
0x52: {  	_ =	shalt  }
0x53: {  	_ =	shalt  }
0x54: {  	_ =	shalt  }
0x55: {  	_ =	shalt  }
0x56: {  	_ =	shalt  }
0x57: {  	_ =	shalt  }
0x58: {  	_ =	shalt  }
0x59: {  	_ =	shalt  }
0x5a: {  	_ =	shalt  }
0x5b: {  	_ =	shalt  }
0x5c: {  	_ =	shalt  }
0x5d: {  	_ =	shalt  }
0x5e: {  	_ =	shalt  }
0x5f: {  	_ =	shalt  }
0x60: {  	_ =	shalt  }
0x61: {  	_ =	shalt  }
0x62: {  	_ =	shalt  }
0x63: {  	_ =	shalt  }
0x64: {  	_ =	shalt  }
0x65: {  	_ =	shalt  }
0x66: {  	_ =	shalt  }
0x67: {  	_ =	shalt  }
0x68: {  	_ =	shalt  }
0x69: {  	_ =	shalt  }
0x6a: {  	_ =	shalt  }
0x6b: {  	_ =	shalt  }
0x6c: {  	_ =	shalt  }
0x6d: {  	_ =	shalt  }
0x6e: {  	_ =	shalt  }
0x6f: {  	_ =	shalt  }
0x70: {  	_ =	shalt  }
0x71: {  	_ =	shalt  }
0x72: {  	_ =	shalt  }
0x73: {  	_ =	shalt  }
0x74: {  	_ =	shalt  }
0x75: {  	_ =	shalt  }
0x76: {  	_ =	shalt  }
0x77: {  	_ =	shalt  }
0x78: {  	_ =	shalt  }
0x79: {  	_ =	shalt  }
0x7a: {  	_ =	shalt  }
0x7b: {  	_ =	shalt  }
0x7c: {  	_ =	shalt  }
0x7d: {  	_ =	shalt  }
0x7e: {  	_ =	shalt  }
0x7f: {  	_ =	shalt  }
0x80: {  	_ =	shalt  }
0x81: {  	_ =	shalt  }
0x82: {  	_ =	shalt  }
0x83: {  	_ =	shalt  }
0x84: {  	_ =	shalt  }
0x85: {  	_ =	shalt  }
0x86: {  	_ =	shalt  }
0x87: {  	_ =	shalt  }
.Lfunc_end0:
.L_simem_size_0:
called_computation_lowered:
.L_overlay_start_0:
0x88: {  	s2 =	sld [smem:$0x3FD9]  }
0x89: {  	s3 =	sld [smem:$0x3FFE];
	_ =	sdelay $0x1  }
0x8a: {  	s1 =	srdreg.scid  }
0x8b: {  	s0 =	sand.u32 $0x1, s1  }
0x8c: {  	s14 =	sshll.u32 s0, $0xA;
	s2 =	sadd.s32 s3, s2  }
0x8d: {  	s2 =	sadd.s32 s2, s14  }
0x8e: {  	[smem:$0x3FC5] =	sst s2  }
0x8f: {  	_ = 	snop  }
0x90: {  	s2 =	sld [smem:$0x3FD0];
	_ =	sdelay $0x2  }
0x91: {  	s4 =	simm.s32 $0xA;
	s5 =	simm.s32 $0x10;
	s15 =	sld [smem:$0x3FC9]  }
0x92: {  	[smem:s5], [sflag:s4] =	dma.local [hbm:s2], $0x1  }
0x93: {  	_ =	swait.eq [sflag:s4], $0x1  }
0x94: {  	[sflag:s4] =	ssyncset.done $0x0  }
0x95: {  	[sflag:s4] =	ssyncadd.s32 $0xFFFFFFFF  }
0x96: {  	s16 =	sld [smem:$0x11];
	(tm) =	ssettm $0x1  }
0x97: {  	s17 =	sld [smem:$0x3FFB];
	_ =	sdelay $0x3  }
0x98: {  	_ =	strace s17  }
0x99: {  	s4 =	sld [smem:$0x3FFC];
	_ =	sdelay $0x3  }
0x9a: {  	_ =	strace s4  }
0x9b: {  	s4 =	sld [smem:$0x3FFD];
	_ =	sdelay $0x3  }
0x9c: {  	_ =	strace s4  }
0x9d: {  	_ =	strace $0x8FFFFFFF  }
0x9e: {  	s18 =	sld [smem:$0x3FDB];
	_ =	sdelay $0x1  }
0x9f: {  	s19 =	simm.s32 $_scs_section_size  }
0xa0: {  	s6 =	simm.s32 $_size__tile_overlayer_lowered;
	s7 =	simm.s32 $_tile_overlayer_lowered  }
0xa1: {  	s22 =	simm.s32 $0x1BFF;
	s21 =	sshll.u32 s7, $0x1;
	s4 =	sadd.s32 s19, s18  }
0xa2: {  	s8 =	simm.s32 $0x0;
	s20 =	sshll.u32 s6, $0x1;
	s6 =	sadd.s32 s21, s4  }
0xa3: {  	[timem:s8], [sflag:s22] =	dma.local [hbm:s6], s20  }
0xa4: {  	_ =	swait.ge [sflag:s22], s20  }
0xa5: {  	s5 =	ssub.s32 $0x0, s20;
	[sflag:s22] =	ssyncset.done $0x0  }
0xa6: {  	[sflag:s22] =	ssyncadd.s32 s5;
	_ =	sdelay $0x1  }
0xa7: {  	s23 =	simm.s32 $0x1B8B  }
0xa8: {  	_ =	swait.ge [sflag:s23], $0x1  }
0xa9: {  	[sflag:s23] =	ssyncset.done $0x0  }
0xaa: {  	s25 =	simm.s32 $0x1B8E;
	s24 =	sld [smem:$0x3FFE];
	[sflag:s23] =	ssyncadd.s32 $0xFFFFFFFF  }
0xab: {  	s26 =	simm.s32 $execute0_lowered;
	[smem:$0x3FD2] =	sst s25  }
0xac: {  	s6 =	sshll.u32 s26, $0x1;
	_ =	strace $0x80000046;
	[dreg:$0x1] =	wrdreg $0xFFFFFFFF  }
0xad: {  	s28 =	simm.s32 $_size_execute0_lowered;
	s4 =	sadd.s32 s4, s6;
	[dreg:$0x0] =	wrdreg $0x0  }
0xae: {  	s6 =	sshll.u32 s28, $0x1;
	[dreg:$0x2] =	wrdreg s4  }
0xaf: {  	[dreg:$0x3] =	wrdreg s6  }
0xb0: {  	[dreg:$0x4] =	wrdreg $0xC0  }
0xb1: {  	_ =	task [dreg:s8], $0x5FFFF  }
0xb2: {  	[dreg:$0x1] =	wrdreg $0xFFFFFFFF  }
0xb3: {  	[dreg:$0x0] =	wrdreg $0x60  }
0xb4: {  	[dreg:$0x2] =	wrdreg s15  }
0xb5: {  	[dreg:$0x3] =	wrdreg s24  }
0xb6: {  	[dreg:$0x4] =	wrdreg s16  }
0xb7: {  	[dreg:$0x5] =	wrdreg $0x9  }
0xb8: {  	_ =	task.clear_ibuf [dreg:s8], $0x6FFFF;
	_ =	strace $0x90000046  }
0xb9: {  	s29 =	simm.s32 $0x9;
	_ =	strace $0x80000048  }
0xba: {  	_ =	swait.ge [sflag:s29], $0x1  }
0xbb: {  	[sflag:s29] =	ssyncadd.s32 $0xFFFFFFFF  }
0xbc: {  	_ =	strace $0x90000048  }
0xbd: {  	_ =	sfence  }
0xbe: {  	s30 =	sld [smem:$0x0];
	_ =	sdelay $0x2  }
0xbf: {  	s31 =	sshll.u32 s1, $0xD;
	s1 =	sshrl.u32 s1, $0x2  }
0xc0: {  	s3 =	sand.u32 $0x4000, s31;
	s1 =	sadd.s32 s1, s30  }
0xc1: {  	s0 =	sor.u32 s3, s0;
	s1 =	sshll.u32 s1, $0x11  }
0xc2: {  	s0 =	sor.u32 s1, s0  }
0xc3: {  	s0 =	sadd.s32 $0x8F2B, s0  }
0xc4: {  	[sflag:s0] =	ssyncadd.remote.s32 $0x1  }
0xc5: {  	_ =	sfence.sel $0xFFFF  }
0xc6: {  	[dreg:$0x0] =	wrdreg $0xFFFFFFFF;
	(pc) =	sbr.abs _section_cstart, $3  }
0xc7: {  	[dreg:$0x1] =	wrdreg $0xFFFFFFFF  }
0xc8: {  	_ =	task.clear_ibuf [dreg:s8], $0x2FFFF;
	_ =	strace $0x9FFFFFFF  }
0xc9: {  	(tm) =	ssettm $0x7FFFFFFF  }
tec
execute0_lowered:
.L_overlay_start_1:
0x0: {  	(tag) =	ssettag $0x1  }
0x1: {  	s1 =	rddreg [dreg:$0x0]  }
0x2: {  	s2 =	srdreg.scid;
	s0 =	stileid.u32  }
0x3: {  	s4 =	rddreg [dreg:$0x1];
	s17 =	sand.u32 $0x1, s2;
	s28 =	sshll.u32 s0, $0x1  }
0x4: {  	s12 =	rddreg [dreg:$0x2];
	s11 =	sor.u32 s17, s28  }
0x5: {  	s3 =	simm.s32 $0x0;
	s2 =	rddreg [dreg:$0x3];
	s5 =	sshll.u32 s11, $0x4  }
0x6: {  	[smem:$0x7FF] =	sst s3;
	s4 =	sadd.s32 s5, s4  }
0x7: {  	_ =	strace $0x80000047;
	s5 =	simm.s32 $0x5;
	s4 =	sadd.s32 $0xC00, s4  }
0x8: {  	[tilespmem:s3], [sflag:$0x5] =	stream.linear.gather [hbm4b:s4+s3], $0x80, $0x38;
	[tilespmem:$0x1C080] =	vst v63  }
0x9: {  	_ =	swait.ge [sflag:s5], $0x80  }
0xa: {  	[sflag:s5] =	ssyncset.done $0x0  }
0xb: {  	[sflag:s5] =	ssyncadd.s32 $0xFFFFFF80  }
0xc: {  	v0 =	vld [tilespmem:$0x0];
	_ =	sdelay $0x4  }
0xd: {  	v0 =	vmul.u32 $0xE000, v0;
	_ =	sdelay $0x1  }
0xe: {  	v0 =	vshrl.u32 v0, $0x3  }
0xf: {  	v0 =	vadd.s32 s1, v0  }
0x10: {  	(v2sf) =	vpush v0, $0x0;
	_ =	sdelay $0x1  }
0x11: {  	(v2sf) =	vpush v0, $0x1;
	_ =	sdelay $0x7  }
0x12: {  	(v2sf) =	vpush v0, $0x2;
	_ =	sdelay $0x4  }
0x13: {  	s6 =	simm.s32 $0x80;
	s7 =	spop (v2sf)  }
0x14: {  	[tilespmem:s6], [sflag:$0x1] =	stream.linear.gather [hbm4b:s7+s3], $0xE000, $0x38;
	[tilespmem:$0x1C080] =	vst v63  }
0x15: {  	s8 =	simm.s32 $0x1;
	s7 =	simm.s32 $0xE080;
	s9 =	spop (v2sf)  }
0x16: {  	(v2sf) =	vpush v0, $0x3;
	[tilespmem:s7], [sflag:$0x2] =	stream.linear.gather [hbm4b:s9+s3], $0xE000, $0x38;
	[tilespmem:$0x1C080] =	vst v63  }
0x17: {  	s29 =	smul.u32 $0xA800, s11;
	_ =	swait.ge [sflag:s8], $0xE000  }
0x18: {  	[sflag:s8] =	ssyncset.done $0x0  }
0x19: {  	s10 =	simm.s32 $0x3;
	s9 =	sadd.s32 s12, s29;
	[sflag:s8] =	ssyncadd.s32 $0xFFFF2000  }
0x1a: {  	[hbm4b:s9+s3] =	stream.linear.scatter [tilespmem:s6], [sflag:$0x3], $0xE000, $0x38;
	[tilespmem:$0x1C080] =	vst v63  }
0x1b: {  	_ =	swait.ge [sflag:s10], $0xE000  }
0x1c: {  	s13 =	smul.u32 $0x54000, s11;
	[sflag:s10] =	ssyncset.done $0x0  }
0x1d: {  	s11 =	simm.s32 $0x2;
	s14 =	spop (v2sf);
	[sflag:s10] =	ssyncadd.s32 $0xFFFF2000  }
0x1e: {  	(v2sf) =	vpush v0, $0x4;
	[tilespmem:s6], [sflag:$0x1] =	stream.linear.gather [hbm4b:s14+s3], $0xE000, $0x38;
	[tilespmem:$0x1C080] =	vst v63  }
0x1f: {  	s13 =	sshrl.u32 s13, $0x3;
	_ =	swait.ge [sflag:s11], $0xE000  }
0x20: {  	s18 =	sadd.s32 s12, s13;
	[sflag:s11] =	ssyncset.done $0x0  }
0x21: {  	s13 =	sadd.s32 $0x1C00, s18;
	s12 =	simm.s32 $0x4;
	[sflag:s11] =	ssyncadd.s32 $0xFFFF2000  }
0x22: {  	[hbm4b:s13+s3] =	stream.linear.scatter [tilespmem:s7], [sflag:$0x4], $0xE000, $0x38;
	[tilespmem:$0x1C080] =	vst v63  }
0x23: {  	_ =	swait.ge [sflag:s12], $0xE000  }
0x24: {  	[sflag:s12] =	ssyncset.done $0x0  }
0x25: {  	s30 =	spop (v2sf);
	[sflag:s12] =	ssyncadd.s32 $0xFFFF2000  }
0x26: {  	(v2sf) =	vpush v0, $0x5;
	[tilespmem:s7], [sflag:$0x2] =	stream.linear.gather [hbm4b:s30+s3], $0xE000, $0x38;
	[tilespmem:$0x1C080] =	vst v63  }
0x27: {  	_ =	swait.ge [sflag:s8], $0xE000  }
0x28: {  	[sflag:s8] =	ssyncset.done $0x0  }
0x29: {  	s14 =	sadd.s32 $0x3800, s18;
	[sflag:s8] =	ssyncadd.s32 $0xFFFF2000  }
0x2a: {  	[hbm4b:s14+s3] =	stream.linear.scatter [tilespmem:s6], [sflag:$0x3], $0xE000, $0x38;
	[tilespmem:$0x1C080] =	vst v63  }
0x2b: {  	_ =	swait.ge [sflag:s10], $0xE000  }
0x2c: {  	[sflag:s10] =	ssyncset.done $0x0  }
0x2d: {  	s15 =	spop (v2sf);
	[sflag:s10] =	ssyncadd.s32 $0xFFFF2000  }
0x2e: {  	[tilespmem:s6], [sflag:$0x1] =	stream.linear.gather [hbm4b:s15+s3], $0xE000, $0x38;
	[tilespmem:$0x1C080] =	vst v63  }
0x2f: {  	_ =	swait.ge [sflag:s11], $0xE000  }
0x30: {  	[sflag:s11] =	ssyncset.done $0x0  }
0x31: {  	s15 =	sadd.s32 $0x5400, s18;
	[sflag:s11] =	ssyncadd.s32 $0xFFFF2000  }
0x32: {  	[hbm4b:s15+s3] =	stream.linear.scatter [tilespmem:s7], [sflag:$0x4], $0xE000, $0x38;
	[tilespmem:$0x1C080] =	vst v63  }
0x33: {  	_ =	swait.ge [sflag:s12], $0xE000  }
0x34: {  	[sflag:s12] =	ssyncset.done $0x0  }
0x35: {  	s16 =	spop (v2sf);
	[sflag:s12] =	ssyncadd.s32 $0xFFFF2000  }
0x36: {  	[tilespmem:s7], [sflag:$0x2] =	stream.linear.gather [hbm4b:s16+s3], $0xE000, $0x38;
	[tilespmem:$0x1C080] =	vst v63  }
0x37: {  	_ =	swait.ge [sflag:s8], $0xE000  }
0x38: {  	s19 =	ssub.s32 $0x2, s17;
	[sflag:s8] =	ssyncset.done $0x0  }
0x39: {  	s31 =	sshrl.u32 s19, $0x1;
	s16 =	sadd.s32 $0x7000, s18;
	[sflag:s8] =	ssyncadd.s32 $0xFFFF2000  }
0x3a: {  	[hbm4b:s16+s3] =	stream.linear.scatter [tilespmem:s6], [sflag:$0x3], $0xE000, $0x38;
	[tilespmem:$0x1C080] =	vst v63  }
0x3b: {  	s17 =	sadd.s32 $0x8C00, s18;
	s18 =	ssub.s32 s19, s31;
	_ =	swait.ge [sflag:s11], $0xE000  }
0x3c: {  	s18 =	smax.u32 s18, $0x1;
	[sflag:s11] =	ssyncset.done $0x0  }
0x3d: {  	p0 =	sne.s32 s18, $0x1;
	[sflag:s11] =	ssyncadd.s32 $0xFFFF2000  }
0x3e: {  	[hbm4b:s17+s3] =	stream.linear.scatter [tilespmem:s7], [sflag:$0x4], $0xE000, $0x38;
	[tilespmem:$0x1C080] =	vst v63  }
.Ltmp0:
0x3f: {  	_ =	swait.ge [sflag:s10], $0xE000;
	(pc) =	sbr.rel @!p0 .LBB2_2-.Ltmp0, $4  }
0x40: {  	[sflag:s10] =	ssyncset.done $0x0  }
0x41: {  	[sflag:s10] =	ssyncadd.s32 $0xFFFF2000  }
0x42: {  	_ =	swait.ge [sflag:s12], $0xE000  }
0x43: {  	s18 =	sadd.s32 $0xFFFFFFFF, s18;
	[sflag:s12] =	ssyncset.done $0x0  }
.LBB2_1:
0x44: {  	p0 =	sne.s32 s18, $0x1;
	s18 =	sadd.s32 $0xFFFFFFFF, s18;
	[sflag:s12] =	ssyncadd.s32 $0xFFFF2000  }
0x45: {  	[tilespmem:s3], [sflag:$0x5] =	stream.linear.gather [hbm4b:s4+s3], $0x80, $0x38;
	[tilespmem:$0x1C080] =	vst v63  }
0x46: {  	_ =	swait.ge [sflag:s5], $0x80  }
0x47: {  	[sflag:s5] =	ssyncset.done $0x0  }
0x48: {  	[sflag:s5] =	ssyncadd.s32 $0xFFFFFF80  }
0x49: {  	v0 =	vld [tilespmem:$0x0];
	_ =	sdelay $0x4  }
0x4a: {  	v0 =	vmul.u32 $0xE000, v0;
	_ =	sdelay $0x1  }
0x4b: {  	v0 =	vshrl.u32 v0, $0x3  }
0x4c: {  	v0 =	vadd.s32 s1, v0  }
0x4d: {  	(v2sf) =	vpush v0, $0x0;
	_ =	sdelay $0x1  }
0x4e: {  	(v2sf) =	vpush v0, $0x1;
	_ =	sdelay $0x7  }
0x4f: {  	(v2sf) =	vpush v0, $0x2;
	_ =	sdelay $0x4  }
0x50: {  	s19 =	spop (v2sf)  }
0x51: {  	[tilespmem:s6], [sflag:$0x1] =	stream.linear.gather [hbm4b:s19+s3], $0xE000, $0x38;
	[tilespmem:$0x1C080] =	vst v63  }
0x52: {  	s19 =	spop (v2sf)  }
0x53: {  	[tilespmem:s7], [sflag:$0x2] =	stream.linear.gather [hbm4b:s19+s3], $0xE000, $0x38;
	(v2sf) =	vpush v0, $0x3;
	[tilespmem:$0x1C080] =	vst v63  }
0x54: {  	_ =	swait.ge [sflag:s8], $0xE000  }
0x55: {  	[sflag:s8] =	ssyncset.done $0x0  }
0x56: {  	[sflag:s8] =	ssyncadd.s32 $0xFFFF2000  }
0x57: {  	[hbm4b:s9+s3] =	stream.linear.scatter [tilespmem:s6], [sflag:$0x3], $0xE000, $0x38;
	[tilespmem:$0x1C080] =	vst v63  }
0x58: {  	_ =	swait.ge [sflag:s10], $0xE000  }
0x59: {  	[sflag:s10] =	ssyncset.done $0x0  }
0x5a: {  	[sflag:s10] =	ssyncadd.s32 $0xFFFF2000;
	s19 =	spop (v2sf)  }
0x5b: {  	[tilespmem:s6], [sflag:$0x1] =	stream.linear.gather [hbm4b:s19+s3], $0xE000, $0x38;
	(v2sf) =	vpush v0, $0x4;
	[tilespmem:$0x1C080] =	vst v63  }
0x5c: {  	_ =	swait.ge [sflag:s11], $0xE000  }
0x5d: {  	[sflag:s11] =	ssyncset.done $0x0  }
0x5e: {  	[sflag:s11] =	ssyncadd.s32 $0xFFFF2000  }
0x5f: {  	[hbm4b:s13+s3] =	stream.linear.scatter [tilespmem:s7], [sflag:$0x4], $0xE000, $0x38;
	[tilespmem:$0x1C080] =	vst v63  }
0x60: {  	_ =	swait.ge [sflag:s12], $0xE000  }
0x61: {  	[sflag:s12] =	ssyncset.done $0x0  }
0x62: {  	[sflag:s12] =	ssyncadd.s32 $0xFFFF2000;
	s19 =	spop (v2sf)  }
0x63: {  	[tilespmem:s7], [sflag:$0x2] =	stream.linear.gather [hbm4b:s19+s3], $0xE000, $0x38;
	(v2sf) =	vpush v0, $0x5;
	[tilespmem:$0x1C080] =	vst v63  }
0x64: {  	_ =	swait.ge [sflag:s8], $0xE000  }
0x65: {  	[sflag:s8] =	ssyncset.done $0x0  }
0x66: {  	[sflag:s8] =	ssyncadd.s32 $0xFFFF2000  }
0x67: {  	[hbm4b:s14+s3] =	stream.linear.scatter [tilespmem:s6], [sflag:$0x3], $0xE000, $0x38;
	[tilespmem:$0x1C080] =	vst v63  }
0x68: {  	_ =	swait.ge [sflag:s10], $0xE000  }
0x69: {  	[sflag:s10] =	ssyncset.done $0x0  }
0x6a: {  	[sflag:s10] =	ssyncadd.s32 $0xFFFF2000;
	s19 =	spop (v2sf)  }
0x6b: {  	[tilespmem:s6], [sflag:$0x1] =	stream.linear.gather [hbm4b:s19+s3], $0xE000, $0x38;
	[tilespmem:$0x1C080] =	vst v63  }
0x6c: {  	_ =	swait.ge [sflag:s11], $0xE000  }
0x6d: {  	[sflag:s11] =	ssyncset.done $0x0  }
0x6e: {  	[sflag:s11] =	ssyncadd.s32 $0xFFFF2000  }
0x6f: {  	[hbm4b:s15+s3] =	stream.linear.scatter [tilespmem:s7], [sflag:$0x4], $0xE000, $0x38;
	[tilespmem:$0x1C080] =	vst v63  }
0x70: {  	_ =	swait.ge [sflag:s12], $0xE000  }
0x71: {  	[sflag:s12] =	ssyncset.done $0x0  }
0x72: {  	[sflag:s12] =	ssyncadd.s32 $0xFFFF2000;
	s19 =	spop (v2sf)  }
0x73: {  	[tilespmem:s7], [sflag:$0x2] =	stream.linear.gather [hbm4b:s19+s3], $0xE000, $0x38;
	[tilespmem:$0x1C080] =	vst v63  }
0x74: {  	_ =	swait.ge [sflag:s8], $0xE000  }
0x75: {  	[sflag:s8] =	ssyncset.done $0x0  }
0x76: {  	[sflag:s8] =	ssyncadd.s32 $0xFFFF2000  }
0x77: {  	[hbm4b:s16+s3] =	stream.linear.scatter [tilespmem:s6], [sflag:$0x3], $0xE000, $0x38;
	[tilespmem:$0x1C080] =	vst v63  }
0x78: {  	_ =	swait.ge [sflag:s11], $0xE000  }
0x79: {  	[sflag:s11] =	ssyncset.done $0x0  }
0x7a: {  	[sflag:s11] =	ssyncadd.s32 $0xFFFF2000  }
0x7b: {  	[hbm4b:s17+s3] =	stream.linear.scatter [tilespmem:s7], [sflag:$0x4], $0xE000, $0x38;
	[tilespmem:$0x1C080] =	vst v63  }
.Ltmp1:
0x7c: {  	_ =	swait.ge [sflag:s10], $0xE000;
	(pc) =	sbr.rel @p0 .LBB2_1-.Ltmp1, $4  }
0x7d: {  	[sflag:s10] =	ssyncset.done $0x0  }
0x7e: {  	[sflag:s10] =	ssyncadd.s32 $0xFFFF2000  }
0x7f: {  	_ =	swait.ge [sflag:s12], $0xE000  }
0x80: {  	[sflag:s12] =	ssyncset.done $0x0  }
.LBB2_2:
0x81: {  	[sflag:s12] =	ssyncadd.s32 $0xFFFF2000  }
0x82: {  	_ =	sfence.sel $0x180000  }
0x83: {  	[bflag:$0x0] =	sbarrier.arrive $0xFFFF  }
0x84: {  	p0 =	sne.s32 s0, $0x0;
	_ =	strace $0x90000047  }
0x85: {  	s0 =	sadd.s32 @!p0 $0x100000, s2;
	[bflag:$0x2] =	sbarrier.arrive $0xFFFF  }
0x86: {  	[sflag:s0] =	ssyncadd.tile.s32 @!p0 $0x1;
	_ =	shalt  }
.Lfunc_end2:
_tile_overlayer_lowered:
.L_overlay_start_2:
0x87: {  	(tag) =	ssettag $0x2  }
0x88: {  	s0 =	rddreg [dreg:$0x0];
	s2 =	stileid.u32  }
0x89: {  	s1 =	rddreg [dreg:$0x1];
	p0 =	sne.s32 s2, $0x0  }
0x8a: {  	s3 =	rddreg [dreg:$0x2];
	[bflag:$0x3] =	sbarrier.arrive $0xFFFF;
	s2 =	simm.s32 @!p0 $0x1C05  }
0x8b: {  	[timem:s3], [sflag:s2] =	dma.local @!p0 [hbm:s0], s1  }
0x8c: {  	s0 =	simm.s32 @!p0 $0x5  }
0x8d: {  	_ =	swait.ge @!p0 [sflag:s0], s1  }
0x8e: {  	s1 =	ssub.s32 @!p0 $0x0, s1;
	[sflag:s0] =	ssyncset.done @!p0 $0x0  }
0x8f: {  	[sflag:s0] =	ssyncadd.s32 @!p0 s1  }
0x90: {  	[bflag:$0x3] =	sbarrier.arrive $0xFFFF  }
0x91: {  	_ =	shalt  }

</sc_bundles>
